<compile_context>
chip_gen: v7x
topology: tpu7x:2x2x1
jax: 0.10.2.dev20260603
libtpu: 0.0.44.dev20260713+nightly
codegen_flags: <defaults>
</compile_context>

<pallas_src>
import functools

import jax
import jax.numpy as jnp
from jax import lax
from jax.experimental import pallas as pl
from jax.experimental.pallas import tpu as pltpu
from jax.experimental.pallas import tpu_sc as plsc

_NC = 2
_NS = 16
_NW = _NC * _NS
_CH = 128
_NBUF = 6


def _sc_gather(inputs1, inputs2, target_embeds, context_embeds, context_bias,
               neg_samples=None, part_off=0, part_len=None):
  V, D = target_embeds.shape
  B = part_len if part_len is not None else inputs1.shape[0]
  with_neg = neg_samples is not None
  NEG = neg_samples.shape[0] if with_neg else 0
  b_per_w = B // _NW
  n_ch = b_per_w // _CH
  neg_per_w = max(NEG // _NW, 1)
  nbuf = min(_NBUF, 2 * n_ch)

  mesh = plsc.VectorSubcoreMesh(core_axis_name="c", subcore_axis_name="s")

  out_type = [
      jax.ShapeDtypeStruct((B, D), jnp.float32),
      jax.ShapeDtypeStruct((B, D), jnp.float32),
      jax.ShapeDtypeStruct((B,), jnp.float32),
  ]
  if with_neg:
    out_type += [
        jax.ShapeDtypeStruct((NEG, D), jnp.float32),
        jax.ShapeDtypeStruct((NEG,), jnp.float32),
    ]

  scratch = [
      pltpu.VMEM((n_ch, _CH), jnp.int32),
      pltpu.VMEM((n_ch, _CH), jnp.int32),
      pltpu.VMEM((nbuf, _CH, D), jnp.float32),
      pltpu.VMEM((n_ch, _CH), jnp.float32),
      pltpu.SemaphoreType.DMA,
      [pltpu.SemaphoreType.DMA] * nbuf,
      [pltpu.SemaphoreType.DMA] * nbuf,
      pltpu.SemaphoreType.DMA,
  ]
  if with_neg:
    scratch += [
        pltpu.VMEM((neg_per_w,), jnp.int32),
        pltpu.VMEM((neg_per_w, D), jnp.float32),
        pltpu.VMEM((neg_per_w,), jnp.float32),
    ]

  @functools.partial(pl.kernel, out_type=tuple(out_type), mesh=mesh,
                     scratch_types=scratch)
  def gather_kernel(*refs):
    if with_neg:
      (i1_hbm, i2_hbm, ineg_hbm, tgt_hbm, ctx_hbm, cbias_hbm,
       o1_hbm, o2_hbm, o2b_hbm, negr_hbm, negb_hbm,
       idx1_v, idx2_v, rows_v, bias2_v,
       sem_i, sems_g, sems_o, sem_n, idxn_v, rowsn_v, biasn_v) = refs
    else:
      (i1_hbm, i2_hbm, tgt_hbm, ctx_hbm, cbias_hbm,
       o1_hbm, o2_hbm, o2b_hbm,
       idx1_v, idx2_v, rows_v, bias2_v,
       sem_i, sems_g, sems_o, sem_n) = refs
    wid = lax.axis_index("s") * _NC + lax.axis_index("c")
    base = wid * b_per_w
    offn = wid * neg_per_w

    idx_copies = []
    for c in range(n_ch):
      off = part_off + base + c * _CH
      idx_copies.append(
          pltpu.async_copy(i1_hbm.at[pl.ds(off, _CH)], idx1_v.at[c], sem_i))
      idx_copies.append(
          pltpu.async_copy(i2_hbm.at[pl.ds(off, _CH)], idx2_v.at[c], sem_i))
    if with_neg:
      idx_copies.append(
          pltpu.async_copy(ineg_hbm.at[pl.ds(offn, neg_per_w)], idxn_v, sem_i))
    for cp in idx_copies:
      cp.wait()

    small = []
    if with_neg:
      small.append(pltpu.async_copy(ctx_hbm.at[idxn_v], rowsn_v, sem_n))
      small.append(pltpu.async_copy(cbias_hbm.at[idxn_v], biasn_v, sem_n))
    for c in range(n_ch):
      small.append(
          pltpu.async_copy(cbias_hbm.at[idx2_v.at[c]], bias2_v.at[c], sem_n))

    n_total = 2 * n_ch

    def chunk_gather(c, slot):
      if c < n_ch:
        return pltpu.async_copy(tgt_hbm.at[idx1_v.at[c]], rows_v.at[slot],
                                sems_g[slot])
      cc = c - n_ch
      return pltpu.async_copy(ctx_hbm.at[idx2_v.at[cc]], rows_v.at[slot],
                              sems_g[slot])

    def chunk_writeback(c, slot):
      if c < n_ch:
        dst = o1_hbm.at[pl.ds(base + c * _CH, _CH)]
      else:
        dst = o2_hbm.at[pl.ds(base + (c - n_ch) * _CH, _CH)]
      return pltpu.async_copy(rows_v.at[slot], dst, sems_o[slot])

    gathers = [chunk_gather(c, c) for c in range(min(nbuf, n_total))]
    outs = [None] * nbuf
    for c in range(n_total):
      slot = c % nbuf
      gathers[slot].wait()
      outs[slot] = chunk_writeback(c, slot)
      nxt = c + nbuf
      if nxt < n_total:
        outs[slot].wait()
        gathers[slot] = chunk_gather(nxt, slot)
    for cp in outs:
      if cp is not None:
        cp.wait()

    for cp in small:
      cp.wait()
    if with_neg:
      pltpu.sync_copy(rowsn_v, negr_hbm.at[pl.ds(offn, neg_per_w)])
      pltpu.sync_copy(biasn_v, negb_hbm.at[pl.ds(offn, neg_per_w)])
    for c in range(n_ch):
      pltpu.sync_copy(bias2_v.at[c], o2b_hbm.at[pl.ds(base + c * _CH, _CH)])

  if with_neg:
    return gather_kernel(inputs1, inputs2, neg_samples, target_embeds,
                         context_embeds, context_bias)
  return gather_kernel(inputs1, inputs2, target_embeds, context_embeds,
                       context_bias)


_BT = 1024


_LOG2E = 1.4426950408889634
_LN2 = 0.6931471805599453


def _softplus2_sum(t, group=1):
  t = jnp.minimum(t, 30.0)
  u = jnp.exp2(t)
  g = t.shape[0] // group
  w = 1.0 + u[0:g]
  for j in range(1, group):
    w = w * (1.0 + u[j * g:(j + 1) * g])
  return jnp.sum(jnp.log(w))


def _tc_loss_body(o1_ref, o2_ref, o2b_ref, neg_ref, negb_ref, out_ref):
  i = pl.program_id(0)
  o1 = o1_ref[...]
  prod = (o1 * o2_ref[...]).reshape(_BT // 128, 128, 128)
  aff = jnp.sum(prod, axis=2) + o2b_ref[...]
  logits2 = lax.dot_general((o1 * _LOG2E).astype(jnp.bfloat16),
                            neg_ref[...].astype(jnp.bfloat16),
                            (((1,), (1,)), ((), ())),
                            preferred_element_type=jnp.float32)
  part = (_softplus2_sum(aff * -_LOG2E) +
          _softplus2_sum(logits2 + negb_ref[...] * _LOG2E,
                         group=4)).reshape(1, 1)

  @pl.when(i == 0)
  def _():
    out_ref[...] = jnp.zeros_like(out_ref)

  out_ref[...] += part


def _tc_loss(o1, o2, o2b, negr, negb2):
  B, D = o1.shape
  NEG = negr.shape[0]
  grid = B // _BT
  out = pl.pallas_call(
      _tc_loss_body,
      grid=(grid,),
      in_specs=[
          pl.BlockSpec((_BT, D), lambda i: (i, 0)),
          pl.BlockSpec((_BT, D), lambda i: (i, 0)),
          pl.BlockSpec((_BT // 128, 128), lambda i: (i, 0)),
          pl.BlockSpec((NEG, D), lambda i: (0, 0)),
          pl.BlockSpec((1, NEG), lambda i: (0, 0)),
      ],
      out_specs=pl.BlockSpec((1, 1), lambda i: (0, 0)),
      out_shape=jax.ShapeDtypeStruct((1, 1), jnp.float32),
  )(o1, o2, o2b.reshape(B // 128, 128), negr, negb2)
  return out


def kernel(inputs1, inputs2, neg_samples, target_embeds, context_embeds,
           context_bias):
  B = inputs1.shape[0]
  NEG = neg_samples.shape[0]
  h = B // 2
  o1a, o2a, o2ba, negr, negb = _sc_gather(
      inputs1, inputs2, target_embeds, context_embeds, context_bias,
      neg_samples=neg_samples, part_off=0, part_len=h)
  o1b, o2b_, o2bb = _sc_gather(
      inputs1, inputs2, target_embeds, context_embeds, context_bias,
      part_off=h, part_len=h)
  negb2 = negb.reshape(1, NEG)
  pa = _tc_loss(o1a, o2a, o2ba, negr, negb2)
  pb = _tc_loss(o1b, o2b_, o2bb, negr, negb2)
  return (pa[0, 0] + pb[0, 0]) / jnp.float32(B)

# --- scband reference (transcript-rebuilt; emitter-appended) ---
"""Pipeline reference for scband-node2-vec-model-1073741824100 (READ-ONLY COPY).

The authoritative reference and input builder live on the scoring server;
editing this copy changes nothing except your own understanding.
"""

import jax, jax.numpy as jnp
import numpy as np

V = 1000000  # dict_size
D = 128      # nodevec_dim
B = 16384    # batch_size
NEG = 1024   # neg_sample_size


def setup_inputs(seed: int = 0) -> dict:
    key = jax.random.key(seed)
    k1, k2, k3, k4, k5 = jax.random.split(key, 5)
    inputs1 = jax.random.randint(k1, (B,), 0, V, dtype=jnp.int32)
    inputs2 = jax.random.randint(k2, (B,), 0, V, dtype=jnp.int32)
    neg_samples = jax.random.randint(k3, (NEG,), 0, V, dtype=jnp.int32)
    # learned parameters, sized per init_kwargs
    target_embeds = jax.random.uniform(k4, (V, D), minval=-1.0, maxval=1.0, dtype=jnp.float32)
    context_embeds = jax.random.normal(k5, (V, D), dtype=jnp.float32) * (1.0 / np.sqrt(D))
    context_bias = jnp.zeros((V,), dtype=jnp.float32)
    return {
        'inputs1': inputs1,
        'inputs2': inputs2,
        'neg_samples': neg_samples,
        'target_embeds': target_embeds,
        'context_embeds': context_embeds,
        'context_bias': context_bias,
    }


def reference(inputs1, inputs2, neg_samples, target_embeds, context_embeds, context_bias):
    # embedding lookups (tf.nn.embedding_lookup -> jnp.take)
    outputs1 = jnp.take(target_embeds, inputs1, axis=0)        # [B, D]
    outputs2 = jnp.take(context_embeds, inputs2, axis=0)       # [B, D]
    outputs2_bias = jnp.take(context_bias, inputs2, axis=0)    # [B]
    neg_outputs = jnp.take(context_embeds, neg_samples, axis=0)      # [NEG, D]
    neg_outputs_bias = jnp.take(context_bias, neg_samples, axis=0)   # [NEG]

    # _loss()
    aff = jnp.sum(outputs1 * outputs2, axis=1) + outputs2_bias                 # [B]
    neg_aff = jnp.matmul(outputs1, neg_outputs.T) + neg_outputs_bias[None, :]  # [B, NEG]
    # sigmoid_cross_entropy_with_logits(labels=1, logits=x) = softplus(-x)
    true_xent = jax.nn.softplus(-aff)
    # sigmoid_cross_entropy_with_logits(labels=0, logits=x) = softplus(x)
    negative_xent = jax.nn.softplus(neg_aff)
    loss = (jnp.sum(true_xent) + jnp.sum(negative_xent)) / jnp.float32(B)
    return loss

if __name__ == "__main__":
    import jax
    _d = setup_inputs()
    print(jax.jit(kernel)(*tuple(_d.values())))

</pallas_src>

<mosaic_0001>
#map = affine_map<(d0, d1) -> (0)>
#map1 = affine_map<(d0, d1) -> (0, 0)>
module attributes {stable_mosaic.version = 14 : i64} {
  func.func @gather_kernel(%arg0: i32, %arg1: i32, %arg2: memref<16384xi32, #tpu.memory_space<hbm>>, %arg3: memref<16384xi32, #tpu.memory_space<hbm>>, %arg4: memref<1024xi32, #tpu.memory_space<hbm>>, %arg5: memref<1000000x128xf32, #tpu.memory_space<hbm>>, %arg6: memref<1000000x128xf32, #tpu.memory_space<hbm>>, %arg7: memref<1000000xf32, #tpu.memory_space<hbm>>, %arg8: memref<8192x128xf32, #tpu.memory_space<hbm>>, %arg9: memref<8192x128xf32, #tpu.memory_space<hbm>>, %arg10: memref<8192xf32, #tpu.memory_space<hbm>>, %arg11: memref<1024x128xf32, #tpu.memory_space<hbm>>, %arg12: memref<1024xf32, #tpu.memory_space<hbm>>, %arg13: memref<2x128xi32, #tpu.memory_space<vmem>>, %arg14: memref<2x128xi32, #tpu.memory_space<vmem>>, %arg15: memref<4x128x128xf32, #tpu.memory_space<vmem>>, %arg16: memref<2x128xf32, #tpu.memory_space<vmem>>, %arg17: memref<!tpu.dma_semaphore, #tpu.memory_space<semaphore_mem>>, %arg18: memref<!tpu.dma_semaphore, #tpu.memory_space<semaphore_mem>>, %arg19: memref<!tpu.dma_semaphore, #tpu.memory_space<semaphore_mem>>, %arg20: memref<!tpu.dma_semaphore, #tpu.memory_space<semaphore_mem>>, %arg21: memref<!tpu.dma_semaphore, #tpu.memory_space<semaphore_mem>>, %arg22: memref<!tpu.dma_semaphore, #tpu.memory_space<semaphore_mem>>, %arg23: memref<!tpu.dma_semaphore, #tpu.memory_space<semaphore_mem>>, %arg24: memref<!tpu.dma_semaphore, #tpu.memory_space<semaphore_mem>>, %arg25: memref<!tpu.dma_semaphore, #tpu.memory_space<semaphore_mem>>, %arg26: memref<!tpu.dma_semaphore, #tpu.memory_space<semaphore_mem>>, %arg27: memref<32xi32, #tpu.memory_space<vmem>>, %arg28: memref<32x128xf32, #tpu.memory_space<vmem>>, %arg29: memref<32xf32, #tpu.memory_space<vmem>>) attributes {dimension_semantics = [#tpu.dimension_semantics<core_parallel>, #tpu.dimension_semantics<subcore_parallel>], iteration_bounds = array<i64: 2, 16>, scalar_prefetch = 0 : i64, scratch_operands = 17 : i64, tpu.core_type = #tpu.core_type<sc_vector_subcore>, window_params = [{transform_indices = #map}, {transform_indices = #map}, {transform_indices = #map}, {transform_indices = #map1}, {transform_indices = #map1}, {transform_indices = #map}, {transform_indices = #map1}, {transform_indices = #map1}, {transform_indices = #map}, {transform_indices = #map1}, {transform_indices = #map}]} {
    %mul3A = arith.constant 2 : i32
    %mul3A_0 = arith.muli %arg1, %mul3A : i32
    %add3A = arith.addi %mul3A_0, %arg0 : i32
    %mul3A_1 = arith.constant 256 : i32
    %mul3A_2 = arith.muli %add3A, %mul3A_1 : i32
    %mul3A_3 = arith.constant 32 : i32
    %mul3A_4 = arith.muli %add3A, %mul3A_3 : i32
    %add3A_5 = arith.constant 0 : i32
    %add3A_6 = arith.addi %add3A_5, %mul3A_2 : i32
    %add3A_7 = arith.constant 0 : i32
    %add3A_8 = arith.addi %add3A_6, %add3A_7 : i32
    %dma_start3A = arith.constant 0 : i32
    %dma_start3A_9 = arith.constant 0 : i32
    %dma_start3A_10 = tpu.memref_slice %arg13[%dma_start3A, %dma_start3A_9] : memref<2x128xi32, #tpu.memory_space<vmem>> -> memref<1x128xi32, #tpu.memory_space<vmem>>
    %dma_start3A_11 = tpu.memref_squeeze %dma_start3A_10 : memref<1x128xi32, #tpu.memory_space<vmem>> -> memref<128xi32, #tpu.memory_space<vmem>>
    %dma_start3A_12 = tpu.memref_slice %arg2[%add3A_8] : memref<16384xi32, #tpu.memory_space<hbm>> -> memref<128xi32, #tpu.memory_space<hbm>>
    %dma_start3A_13 = arith.constant 0 : i32
    %dma_start3A_14 = tpu.memref_slice %arg13[%dma_start3A, %dma_start3A_13] : memref<2x128xi32, #tpu.memory_space<vmem>> -> memref<1x128xi32, #tpu.memory_space<vmem>>
    %dma_start3A_15 = tpu.memref_squeeze %dma_start3A_14 : memref<1x128xi32, #tpu.memory_space<vmem>> -> memref<128xi32, #tpu.memory_space<vmem>>
    %dma_start3A_16 = tpu.memref_slice %arg2[%add3A_8] : memref<16384xi32, #tpu.memory_space<hbm>> -> memref<128xi32, #tpu.memory_space<hbm>>
    tpu.enqueue_dma source(%dma_start3A_16 : memref<128xi32, #tpu.memory_space<hbm>>) target(%dma_start3A_15 : memref<128xi32, #tpu.memory_space<vmem>>) target_semaphore(%arg17 : memref<!tpu.dma_semaphore, #tpu.memory_space<semaphore_mem>>)
    %dma_start3A_17 = arith.constant 0 : i32
    %dma_start3A_18 = arith.constant 0 : i32
    %dma_start3A_19 = tpu.memref_slice %arg14[%dma_start3A_17, %dma_start3A_18] : memref<2x128xi32, #tpu.memory_space<vmem>> -> memref<1x128xi32, #tpu.memory_space<vmem>>
    %dma_start3A_20 = tpu.memref_squeeze %dma_start3A_19 : memref<1x128xi32, #tpu.memory_space<vmem>> -> memref<128xi32, #tpu.memory_space<vmem>>
    %dma_start3A_21 = tpu.memref_slice %arg3[%add3A_8] : memref<16384xi32, #tpu.memory_space<hbm>> -> memref<128xi32, #tpu.memory_space<hbm>>
    %dma_start3A_22 = arith.constant 0 : i32
    %dma_start3A_23 = tpu.memref_slice %arg14[%dma_start3A_17, %dma_start3A_22] : memref<2x128xi32, #tpu.memory_space<vmem>> -> memref<1x128xi32, #tpu.memory_space<vmem>>
    %dma_start3A_24 = tpu.memref_squeeze %dma_start3A_23 : memref<1x128xi32, #tpu.memory_space<vmem>> -> memref<128xi32, #tpu.memory_space<vmem>>
    %dma_start3A_25 = tpu.memref_slice %arg3[%add3A_8] : memref<16384xi32, #tpu.memory_space<hbm>> -> memref<128xi32, #tpu.memory_space<hbm>>
    tpu.enqueue_dma source(%dma_start3A_25 : memref<128xi32, #tpu.memory_space<hbm>>) target(%dma_start3A_24 : memref<128xi32, #tpu.memory_space<vmem>>) target_semaphore(%arg17 : memref<!tpu.dma_semaphore, #tpu.memory_space<semaphore_mem>>)
    %add3A_26 = arith.constant 0 : i32
    %add3A_27 = arith.addi %add3A_26, %mul3A_2 : i32
    %add3A_28 = arith.constant 128 : i32
    %add3A_29 = arith.addi %add3A_27, %add3A_28 : i32
    %dma_start3A_30 = arith.constant 1 : i32
    %dma_start3A_31 = arith.constant 0 : i32
    %dma_start3A_32 = tpu.memref_slice %arg13[%dma_start3A_30, %dma_start3A_31] : memref<2x128xi32, #tpu.memory_space<vmem>> -> memref<1x128xi32, #tpu.memory_space<vmem>>
    %dma_start3A_33 = tpu.memref_squeeze %dma_start3A_32 : memref<1x128xi32, #tpu.memory_space<vmem>> -> memref<128xi32, #tpu.memory_space<vmem>>
    %dma_start3A_34 = tpu.memref_slice %arg2[%add3A_29] : memref<16384xi32, #tpu.memory_space<hbm>> -> memref<128xi32, #tpu.memory_space<hbm>>
    %dma_start3A_35 = arith.constant 0 : i32
    %dma_start3A_36 = tpu.memref_slice %arg13[%dma_start3A_30, %dma_start3A_35] : memref<2x128xi32, #tpu.memory_space<vmem>> -> memref<1x128xi32, #tpu.memory_space<vmem>>
    %dma_start3A_37 = tpu.memref_squeeze %dma_start3A_36 : memref<1x128xi32, #tpu.memory_space<vmem>> -> memref<128xi32, #tpu.memory_space<vmem>>
    %dma_start3A_38 = tpu.memref_slice %arg2[%add3A_29] : memref<16384xi32, #tpu.memory_space<hbm>> -> memref<128xi32, #tpu.memory_space<hbm>>
    tpu.enqueue_dma source(%dma_start3A_38 : memref<128xi32, #tpu.memory_space<hbm>>) target(%dma_start3A_37 : memref<128xi32, #tpu.memory_space<vmem>>) target_semaphore(%arg17 : memref<!tpu.dma_semaphore, #tpu.memory_space<semaphore_mem>>)
    %dma_start3A_39 = arith.constant 1 : i32
    %dma_start3A_40 = arith.constant 0 : i32
    %dma_start3A_41 = tpu.memref_slice %arg14[%dma_start3A_39, %dma_start3A_40] : memref<2x128xi32, #tpu.memory_space<vmem>> -> memref<1x128xi32, #tpu.memory_space<vmem>>
    %dma_start3A_42 = tpu.memref_squeeze %dma_start3A_41 : memref<1x128xi32, #tpu.memory_space<vmem>> -> memref<128xi32, #tpu.memory_space<vmem>>
    %dma_start3A_43 = tpu.memref_slice %arg3[%add3A_29] : memref<16384xi32, #tpu.memory_space<hbm>> -> memref<128xi32, #tpu.memory_space<hbm>>
    %dma_start3A_44 = arith.constant 0 : i32
    %dma_start3A_45 = tpu.memref_slice %arg14[%dma_start3A_39, %dma_start3A_44] : memref<2x128xi32, #tpu.memory_space<vmem>> -> memref<1x128xi32, #tpu.memory_space<vmem>>
    %dma_start3A_46 = tpu.memref_squeeze %dma_start3A_45 : memref<1x128xi32, #tpu.memory_space<vmem>> -> memref<128xi32, #tpu.memory_space<vmem>>
    %dma_start3A_47 = tpu.memref_slice %arg3[%add3A_29] : memref<16384xi32, #tpu.memory_space<hbm>> -> memref<128xi32, #tpu.memory_space<hbm>>
    tpu.enqueue_dma source(%dma_start3A_47 : memref<128xi32, #tpu.memory_space<hbm>>) target(%dma_start3A_46 : memref<128xi32, #tpu.memory_space<vmem>>) target_semaphore(%arg17 : memref<!tpu.dma_semaphore, #tpu.memory_space<semaphore_mem>>)
    %dma_start3A_48 = tpu.memref_slice %arg4[%mul3A_4] : memref<1024xi32, #tpu.memory_space<hbm>> -> memref<32xi32, #tpu.memory_space<hbm>>
    %dma_start3A_49 = tpu.memref_slice %arg4[%mul3A_4] : memref<1024xi32, #tpu.memory_space<hbm>> -> memref<32xi32, #tpu.memory_space<hbm>>
    tpu.enqueue_dma source(%dma_start3A_49 : memref<32xi32, #tpu.memory_space<hbm>>) target(%arg27 : memref<32xi32, #tpu.memory_space<vmem>>) target_semaphore(%arg17 : memref<!tpu.dma_semaphore, #tpu.memory_space<semaphore_mem>>)
    %dma_wait3A = arith.constant 0 : i32
    %dma_wait3A_50 = arith.constant 0 : i32
    %dma_wait3A_51 = tpu.memref_slice %arg13[%dma_wait3A, %dma_wait3A_50] : memref<2x128xi32, #tpu.memory_space<vmem>> -> memref<1x128xi32, #tpu.memory_space<vmem>>
    %dma_wait3A_52 = tpu.memref_squeeze %dma_wait3A_51 : memref<1x128xi32, #tpu.memory_space<vmem>> -> memref<128xi32, #tpu.memory_space<vmem>>
    %dma_wait3A_53 = tpu.memref_slice %arg2[%add3A_8] : memref<16384xi32, #tpu.memory_space<hbm>> -> memref<128xi32, #tpu.memory_space<hbm>>
    %dma_wait3A_54 = arith.constant 0 : i32
    %dma_wait3A_55 = tpu.memref_slice %arg13[%dma_wait3A, %dma_wait3A_54] : memref<2x128xi32, #tpu.memory_space<vmem>> -> memref<1x128xi32, #tpu.memory_space<vmem>>
    %dma_wait3A_56 = tpu.memref_squeeze %dma_wait3A_55 : memref<1x128xi32, #tpu.memory_space<vmem>> -> memref<128xi32, #tpu.memory_space<vmem>>
    %dma_wait3A_57 = tpu.memref_slice %arg2[%add3A_8] : memref<16384xi32, #tpu.memory_space<hbm>> -> memref<128xi32, #tpu.memory_space<hbm>>
    tpu.wait_dma2 semaphore(%arg17 : memref<!tpu.dma_semaphore, #tpu.memory_space<semaphore_mem>>) src(%dma_wait3A_57 : memref<128xi32, #tpu.memory_space<hbm>>) dst(%dma_wait3A_56 : memref<128xi32, #tpu.memory_space<vmem>>)
    %dma_wait3A_58 = arith.constant 0 : i32
    %dma_wait3A_59 = arith.constant 0 : i32
    %dma_wait3A_60 = tpu.memref_slice %arg14[%dma_wait3A_58, %dma_wait3A_59] : memref<2x128xi32, #tpu.memory_space<vmem>> -> memref<1x128xi32, #tpu.memory_space<vmem>>
    %dma_wait3A_61 = tpu.memref_squeeze %dma_wait3A_60 : memref<1x128xi32, #tpu.memory_space<vmem>> -> memref<128xi32, #tpu.memory_space<vmem>>
    %dma_wait3A_62 = tpu.memref_slice %arg3[%add3A_8] : memref<16384xi32, #tpu.memory_space<hbm>> -> memref<128xi32, #tpu.memory_space<hbm>>
    %dma_wait3A_63 = arith.constant 0 : i32
    %dma_wait3A_64 = tpu.memref_slice %arg14[%dma_wait3A_58, %dma_wait3A_63] : memref<2x128xi32, #tpu.memory_space<vmem>> -> memref<1x128xi32, #tpu.memory_space<vmem>>
    %dma_wait3A_65 = tpu.memref_squeeze %dma_wait3A_64 : memref<1x128xi32, #tpu.memory_space<vmem>> -> memref<128xi32, #tpu.memory_space<vmem>>
    %dma_wait3A_66 = tpu.memref_slice %arg3[%add3A_8] : memref<16384xi32, #tpu.memory_space<hbm>> -> memref<128xi32, #tpu.memory_space<hbm>>
    tpu.wait_dma2 semaphore(%arg17 : memref<!tpu.dma_semaphore, #tpu.memory_space<semaphore_mem>>) src(%dma_wait3A_66 : memref<128xi32, #tpu.memory_space<hbm>>) dst(%dma_wait3A_65 : memref<128xi32, #tpu.memory_space<vmem>>)
    %dma_wait3A_67 = arith.constant 1 : i32
    %dma_wait3A_68 = arith.constant 0 : i32
    %dma_wait3A_69 = tpu.memref_slice %arg13[%dma_wait3A_67, %dma_wait3A_68] : memref<2x128xi32, #tpu.memory_space<vmem>> -> memref<1x128xi32, #tpu.memory_space<vmem>>
    %dma_wait3A_70 = tpu.memref_squeeze %dma_wait3A_69 : memref<1x128xi32, #tpu.memory_space<vmem>> -> memref<128xi32, #tpu.memory_space<vmem>>
    %dma_wait3A_71 = tpu.memref_slice %arg2[%add3A_29] : memref<16384xi32, #tpu.memory_space<hbm>> -> memref<128xi32, #tpu.memory_space<hbm>>
    %dma_wait3A_72 = arith.constant 0 : i32
    %dma_wait3A_73 = tpu.memref_slice %arg13[%dma_wait3A_67, %dma_wait3A_72] : memref<2x128xi32, #tpu.memory_space<vmem>> -> memref<1x128xi32, #tpu.memory_space<vmem>>
    %dma_wait3A_74 = tpu.memref_squeeze %dma_wait3A_73 : memref<1x128xi32, #tpu.memory_space<vmem>> -> memref<128xi32, #tpu.memory_space<vmem>>
    %dma_wait3A_75 = tpu.memref_slice %arg2[%add3A_29] : memref<16384xi32, #tpu.memory_space<hbm>> -> memref<128xi32, #tpu.memory_space<hbm>>
    tpu.wait_dma2 semaphore(%arg17 : memref<!tpu.dma_semaphore, #tpu.memory_space<semaphore_mem>>) src(%dma_wait3A_75 : memref<128xi32, #tpu.memory_space<hbm>>) dst(%dma_wait3A_74 : memref<128xi32, #tpu.memory_space<vmem>>)
    %dma_wait3A_76 = arith.constant 1 : i32
    %dma_wait3A_77 = arith.constant 0 : i32
    %dma_wait3A_78 = tpu.memref_slice %arg14[%dma_wait3A_76, %dma_wait3A_77] : memref<2x128xi32, #tpu.memory_space<vmem>> -> memref<1x128xi32, #tpu.memory_space<vmem>>
    %dma_wait3A_79 = tpu.memref_squeeze %dma_wait3A_78 : memref<1x128xi32, #tpu.memory_space<vmem>> -> memref<128xi32, #tpu.memory_space<vmem>>
    %dma_wait3A_80 = tpu.memref_slice %arg3[%add3A_29] : memref<16384xi32, #tpu.memory_space<hbm>> -> memref<128xi32, #tpu.memory_space<hbm>>
    %dma_wait3A_81 = arith.constant 0 : i32
    %dma_wait3A_82 = tpu.memref_slice %arg14[%dma_wait3A_76, %dma_wait3A_81] : memref<2x128xi32, #tpu.memory_space<vmem>> -> memref<1x128xi32, #tpu.memory_space<vmem>>
    %dma_wait3A_83 = tpu.memref_squeeze %dma_wait3A_82 : memref<1x128xi32, #tpu.memory_space<vmem>> -> memref<128xi32, #tpu.memory_space<vmem>>
    %dma_wait3A_84 = tpu.memref_slice %arg3[%add3A_29] : memref<16384xi32, #tpu.memory_space<hbm>> -> memref<128xi32, #tpu.memory_space<hbm>>
    tpu.wait_dma2 semaphore(%arg17 : memref<!tpu.dma_semaphore, #tpu.memory_space<semaphore_mem>>) src(%dma_wait3A_84 : memref<128xi32, #tpu.memory_space<hbm>>) dst(%dma_wait3A_83 : memref<128xi32, #tpu.memory_space<vmem>>)
    %dma_wait3A_85 = tpu.memref_slice %arg4[%mul3A_4] : memref<1024xi32, #tpu.memory_space<hbm>> -> memref<32xi32, #tpu.memory_space<hbm>>
    %dma_wait3A_86 = tpu.memref_slice %arg4[%mul3A_4] : memref<1024xi32, #tpu.memory_space<hbm>> -> memref<32xi32, #tpu.memory_space<hbm>>
    tpu.wait_dma2 semaphore(%arg17 : memref<!tpu.dma_semaphore, #tpu.memory_space<semaphore_mem>>) src(%dma_wait3A_86 : memref<32xi32, #tpu.memory_space<hbm>>) dst(%arg27 : memref<32xi32, #tpu.memory_space<vmem>>)
    %dma_start3A_87 = arith.constant 0 : i32
    %dma_start3A_88 = arith.constant 0 : i32
    %dma_start3A_89 = tpu.memref_slice %arg6[%dma_start3A_87, %dma_start3A_88] : memref<1000000x128xf32, #tpu.memory_space<hbm>> -> memref<1000000x128xf32, #tpu.memory_space<hbm>>
    tpu.enqueue_indirect_dma source(%dma_start3A_89 : memref<1000000x128xf32, #tpu.memory_space<hbm>>) target(%arg28 : memref<32x128xf32, #tpu.memory_space<vmem>>) offsets(%arg27 : memref<32xi32, #tpu.memory_space<vmem>>) semaphore(%arg26 : memref<!tpu.dma_semaphore, #tpu.memory_space<semaphore_mem>>)
    %dma_start3A_90 = arith.constant 0 : i32
    %dma_start3A_91 = tpu.memref_slice %arg7[%dma_start3A_90] : memref<1000000xf32, #tpu.memory_space<hbm>> -> memref<1000000xf32, #tpu.memory_space<hbm>>
    tpu.enqueue_indirect_dma source(%dma_start3A_91 : memref<1000000xf32, #tpu.memory_space<hbm>>) target(%arg29 : memref<32xf32, #tpu.memory_space<vmem>>) offsets(%arg27 : memref<32xi32, #tpu.memory_space<vmem>>) semaphore(%arg26 : memref<!tpu.dma_semaphore, #tpu.memory_space<semaphore_mem>>)
    %dma_start3A_92 = arith.constant 0 : i32
    %dma_start3A_93 = arith.constant 0 : i32
    %dma_start3A_94 = arith.constant 0 : i32
    %dma_start3A_95 = tpu.memref_slice %arg16[%dma_start3A_93, %dma_start3A_94] : memref<2x128xf32, #tpu.memory_space<vmem>> -> memref<1x128xf32, #tpu.memory_space<vmem>>
    %dma_start3A_96 = tpu.memref_squeeze %dma_start3A_95 : memref<1x128xf32, #tpu.memory_space<vmem>> -> memref<128xf32, #tpu.memory_space<vmem>>
    %dma_start3A_97 = arith.constant 0 : i32
    %dma_start3A_98 = tpu.memref_slice %arg14[%dma_start3A_92, %dma_start3A_97] : memref<2x128xi32, #tpu.memory_space<vmem>> -> memref<1x128xi32, #tpu.memory_space<vmem>>
    %dma_start3A_99 = tpu.memref_squeeze %dma_start3A_98 : memref<1x128xi32, #tpu.memory_space<vmem>> -> memref<128xi32, #tpu.memory_space<vmem>>
    %dma_start3A_100 = arith.constant 0 : i32
    %dma_start3A_101 = tpu.memref_slice %arg7[%dma_start3A_100] : memref<1000000xf32, #tpu.memory_space<hbm>> -> memref<1000000xf32, #tpu.memory_space<hbm>>
    tpu.enqueue_indirect_dma source(%dma_start3A_101 : memref<1000000xf32, #tpu.memory_space<hbm>>) target(%dma_start3A_96 : memref<128xf32, #tpu.memory_space<vmem>>) offsets(%dma_start3A_99 : memref<128xi32, #tpu.memory_space<vmem>>) semaphore(%arg26 : memref<!tpu.dma_semaphore, #tpu.memory_space<semaphore_mem>>)
    %dma_start3A_102 = arith.constant 1 : i32
    %dma_start3A_103 = arith.constant 1 : i32
    %dma_start3A_104 = arith.constant 0 : i32
    %dma_start3A_105 = tpu.memref_slice %arg16[%dma_start3A_103, %dma_start3A_104] : memref<2x128xf32, #tpu.memory_space<vmem>> -> memref<1x128xf32, #tpu.memory_space<vmem>>
    %dma_start3A_106 = tpu.memref_squeeze %dma_start3A_105 : memref<1x128xf32, #tpu.memory_space<vmem>> -> memref<128xf32, #tpu.memory_space<vmem>>
    %dma_start3A_107 = arith.constant 0 : i32
    %dma_start3A_108 = tpu.memref_slice %arg14[%dma_start3A_102, %dma_start3A_107] : memref<2x128xi32, #tpu.memory_space<vmem>> -> memref<1x128xi32, #tpu.memory_space<vmem>>
    %dma_start3A_109 = tpu.memref_squeeze %dma_start3A_108 : memref<1x128xi32, #tpu.memory_space<vmem>> -> memref<128xi32, #tpu.memory_space<vmem>>
    %dma_start3A_110 = arith.constant 0 : i32
    %dma_start3A_111 = tpu.memref_slice %arg7[%dma_start3A_110] : memref<1000000xf32, #tpu.memory_space<hbm>> -> memref<1000000xf32, #tpu.memory_space<hbm>>
    tpu.enqueue_indirect_dma source(%dma_start3A_111 : memref<1000000xf32, #tpu.memory_space<hbm>>) target(%dma_start3A_106 : memref<128xf32, #tpu.memory_space<vmem>>) offsets(%dma_start3A_109 : memref<128xi32, #tpu.memory_space<vmem>>) semaphore(%arg26 : memref<!tpu.dma_semaphore, #tpu.memory_space<semaphore_mem>>)
    %dma_start3A_112 = arith.constant 0 : i32
    %dma_start3A_113 = arith.constant 0 : i32
    %dma_start3A_114 = arith.constant 0 : i32
    %dma_start3A_115 = arith.constant 0 : i32
    %dma_start3A_116 = tpu.memref_slice %arg15[%dma_start3A_113, %dma_start3A_114, %dma_start3A_115] : memref<4x128x128xf32, #tpu.memory_space<vmem>> -> memref<1x128x128xf32, #tpu.memory_space<vmem>>
    %dma_start3A_117 = tpu.memref_squeeze %dma_start3A_116 : memref<1x128x128xf32, #tpu.memory_space<vmem>> -> memref<128x128xf32, #tpu.memory_space<vmem>>
    %dma_start3A_118 = arith.constant 0 : i32
    %dma_start3A_119 = tpu.memref_slice %arg13[%dma_start3A_112, %dma_start3A_118] : memref<2x128xi32, #tpu.memory_space<vmem>> -> memref<1x128xi32, #tpu.memory_space<vmem>>
    %dma_start3A_120 = tpu.memref_squeeze %dma_start3A_119 : memref<1x128xi32, #tpu.memory_space<vmem>> -> memref<128xi32, #tpu.memory_space<vmem>>
    %dma_start3A_121 = arith.constant 0 : i32
    %dma_start3A_122 = arith.constant 0 : i32
    %dma_start3A_123 = tpu.memref_slice %arg5[%dma_start3A_121, %dma_start3A_122] : memref<1000000x128xf32, #tpu.memory_space<hbm>> -> memref<1000000x128xf32, #tpu.memory_space<hbm>>
    tpu.enqueue_indirect_dma source(%dma_start3A_123 : memref<1000000x128xf32, #tpu.memory_space<hbm>>) target(%dma_start3A_117 : memref<128x128xf32, #tpu.memory_space<vmem>>) offsets(%dma_start3A_120 : memref<128xi32, #tpu.memory_space<vmem>>) semaphore(%arg18 : memref<!tpu.dma_semaphore, #tpu.memory_space<semaphore_mem>>)
    %dma_start3A_124 = arith.constant 1 : i32
    %dma_start3A_125 = arith.constant 1 : i32
    %dma_start3A_126 = arith.constant 0 : i32
    %dma_start3A_127 = arith.constant 0 : i32
    %dma_start3A_128 = tpu.memref_slice %arg15[%dma_start3A_125, %dma_start3A_126, %dma_start3A_127] : memref<4x128x128xf32, #tpu.memory_space<vmem>> -> memref<1x128x128xf32, #tpu.memory_space<vmem>>
    %dma_start3A_129 = tpu.memref_squeeze %dma_start3A_128 : memref<1x128x128xf32, #tpu.memory_space<vmem>> -> memref<128x128xf32, #tpu.memory_space<vmem>>
    %dma_start3A_130 = arith.constant 0 : i32
    %dma_start3A_131 = tpu.memref_slice %arg13[%dma_start3A_124, %dma_start3A_130] : memref<2x128xi32, #tpu.memory_space<vmem>> -> memref<1x128xi32, #tpu.memory_space<vmem>>
    %dma_start3A_132 = tpu.memref_squeeze %dma_start3A_131 : memref<1x128xi32, #tpu.memory_space<vmem>> -> memref<128xi32, #tpu.memory_space<vmem>>
    %dma_start3A_133 = arith.constant 0 : i32
    %dma_start3A_134 = arith.constant 0 : i32
    %dma_start3A_135 = tpu.memref_slice %arg5[%dma_start3A_133, %dma_start3A_134] : memref<1000000x128xf32, #tpu.memory_space<hbm>> -> memref<1000000x128xf32, #tpu.memory_space<hbm>>
    tpu.enqueue_indirect_dma source(%dma_start3A_135 : memref<1000000x128xf32, #tpu.memory_space<hbm>>) target(%dma_start3A_129 : memref<128x128xf32, #tpu.memory_space<vmem>>) offsets(%dma_start3A_132 : memref<128xi32, #tpu.memory_space<vmem>>) semaphore(%arg19 : memref<!tpu.dma_semaphore, #tpu.memory_space<semaphore_mem>>)
    %dma_start3A_136 = arith.constant 0 : i32
    %dma_start3A_137 = arith.constant 2 : i32
    %dma_start3A_138 = arith.constant 0 : i32
    %dma_start3A_139 = arith.constant 0 : i32
    %dma_start3A_140 = tpu.memref_slice %arg15[%dma_start3A_137, %dma_start3A_138, %dma_start3A_139] : memref<4x128x128xf32, #tpu.memory_space<vmem>> -> memref<1x128x128xf32, #tpu.memory_space<vmem>>
    %dma_start3A_141 = tpu.memref_squeeze %dma_start3A_140 : memref<1x128x128xf32, #tpu.memory_space<vmem>> -> memref<128x128xf32, #tpu.memory_space<vmem>>
    %dma_start3A_142 = arith.constant 0 : i32
    %dma_start3A_143 = tpu.memref_slice %arg14[%dma_start3A_136, %dma_start3A_142] : memref<2x128xi32, #tpu.memory_space<vmem>> -> memref<1x128xi32, #tpu.memory_space<vmem>>
    %dma_start3A_144 = tpu.memref_squeeze %dma_start3A_143 : memref<1x128xi32, #tpu.memory_space<vmem>> -> memref<128xi32, #tpu.memory_space<vmem>>
    %dma_start3A_145 = arith.constant 0 : i32
    %dma_start3A_146 = arith.constant 0 : i32
    %dma_start3A_147 = tpu.memref_slice %arg6[%dma_start3A_145, %dma_start3A_146] : memref<1000000x128xf32, #tpu.memory_space<hbm>> -> memref<1000000x128xf32, #tpu.memory_space<hbm>>
    tpu.enqueue_indirect_dma source(%dma_start3A_147 : memref<1000000x128xf32, #tpu.memory_space<hbm>>) target(%dma_start3A_141 : memref<128x128xf32, #tpu.memory_space<vmem>>) offsets(%dma_start3A_144 : memref<128xi32, #tpu.memory_space<vmem>>) semaphore(%arg20 : memref<!tpu.dma_semaphore, #tpu.memory_space<semaphore_mem>>)
    %dma_start3A_148 = arith.constant 1 : i32
    %dma_start3A_149 = arith.constant 3 : i32
    %dma_start3A_150 = arith.constant 0 : i32
    %dma_start3A_151 = arith.constant 0 : i32
    %dma_start3A_152 = tpu.memref_slice %arg15[%dma_start3A_149, %dma_start3A_150, %dma_start3A_151] : memref<4x128x128xf32, #tpu.memory_space<vmem>> -> memref<1x128x128xf32, #tpu.memory_space<vmem>>
    %dma_start3A_153 = tpu.memref_squeeze %dma_start3A_152 : memref<1x128x128xf32, #tpu.memory_space<vmem>> -> memref<128x128xf32, #tpu.memory_space<vmem>>
    %dma_start3A_154 = arith.constant 0 : i32
    %dma_start3A_155 = tpu.memref_slice %arg14[%dma_start3A_148, %dma_start3A_154] : memref<2x128xi32, #tpu.memory_space<vmem>> -> memref<1x128xi32, #tpu.memory_space<vmem>>
    %dma_start3A_156 = tpu.memref_squeeze %dma_start3A_155 : memref<1x128xi32, #tpu.memory_space<vmem>> -> memref<128xi32, #tpu.memory_space<vmem>>
    %dma_start3A_157 = arith.constant 0 : i32
    %dma_start3A_158 = arith.constant 0 : i32
    %dma_start3A_159 = tpu.memref_slice %arg6[%dma_start3A_157, %dma_start3A_158] : memref<1000000x128xf32, #tpu.memory_space<hbm>> -> memref<1000000x128xf32, #tpu.memory_space<hbm>>
    tpu.enqueue_indirect_dma source(%dma_start3A_159 : memref<1000000x128xf32, #tpu.memory_space<hbm>>) target(%dma_start3A_153 : memref<128x128xf32, #tpu.memory_space<vmem>>) offsets(%dma_start3A_156 : memref<128xi32, #tpu.memory_space<vmem>>) semaphore(%arg21 : memref<!tpu.dma_semaphore, #tpu.memory_space<semaphore_mem>>)
    %dma_wait3A_160 = arith.constant 0 : i32
    %dma_wait3A_161 = arith.constant 0 : i32
    %dma_wait3A_162 = arith.constant 0 : i32
    %dma_wait3A_163 = arith.constant 0 : i32
    %dma_wait3A_164 = tpu.memref_slice %arg15[%dma_wait3A_161, %dma_wait3A_162, %dma_wait3A_163] : memref<4x128x128xf32, #tpu.memory_space<vmem>> -> memref<1x128x128xf32, #tpu.memory_space<vmem>>
    %dma_wait3A_165 = tpu.memref_squeeze %dma_wait3A_164 : memref<1x128x128xf32, #tpu.memory_space<vmem>> -> memref<128x128xf32, #tpu.memory_space<vmem>>
    %dma_wait3A_166 = arith.constant 0 : i32
    %dma_wait3A_167 = tpu.memref_slice %arg13[%dma_wait3A_160, %dma_wait3A_166] : memref<2x128xi32, #tpu.memory_space<vmem>> -> memref<1x128xi32, #tpu.memory_space<vmem>>
    %dma_wait3A_168 = tpu.memref_squeeze %dma_wait3A_167 : memref<1x128xi32, #tpu.memory_space<vmem>> -> memref<128xi32, #tpu.memory_space<vmem>>
    %dma_wait3A_169 = arith.constant 0 : i32
    %dma_wait3A_170 = arith.constant 0 : i32
    %dma_wait3A_171 = tpu.memref_slice %arg5[%dma_wait3A_169, %dma_wait3A_170] : memref<1000000x128xf32, #tpu.memory_space<hbm>> -> memref<1000000x128xf32, #tpu.memory_space<hbm>>
    tpu.wait_indirect_dma semaphore(%arg18 : memref<!tpu.dma_semaphore, #tpu.memory_space<semaphore_mem>>) src(%dma_wait3A_171 : memref<1000000x128xf32, #tpu.memory_space<hbm>>) dst(%dma_wait3A_165 : memref<128x128xf32, #tpu.memory_space<vmem>>)
    %add3A_172 = arith.constant 0 : i32
    %add3A_173 = arith.addi %mul3A_2, %add3A_172 : i32
    %dma_start3A_174 = arith.constant 0 : i32
    %dma_start3A_175 = arith.constant 0 : i32
    %dma_start3A_176 = arith.constant 0 : i32
    %dma_start3A_177 = tpu.memref_slice %arg15[%dma_start3A_174, %dma_start3A_175, %dma_start3A_176] : memref<4x128x128xf32, #tpu.memory_space<vmem>> -> memref<1x128x128xf32, #tpu.memory_space<vmem>>
    %dma_start3A_178 = tpu.memref_squeeze %dma_start3A_177 : memref<1x128x128xf32, #tpu.memory_space<vmem>> -> memref<128x128xf32, #tpu.memory_space<vmem>>
    %dma_start3A_179 = arith.constant 0 : i32
    %dma_start3A_180 = tpu.memref_slice %arg8[%add3A_173, %dma_start3A_179] : memref<8192x128xf32, #tpu.memory_space<hbm>> -> memref<128x128xf32, #tpu.memory_space<hbm>>
    %dma_start3A_181 = arith.constant 0 : i32
    %dma_start3A_182 = tpu.memref_slice %arg8[%add3A_173, %dma_start3A_181] : memref<8192x128xf32, #tpu.memory_space<hbm>> -> memref<128x128xf32, #tpu.memory_space<hbm>>
    %dma_start3A_183 = arith.constant 0 : i32
    %dma_start3A_184 = arith.constant 0 : i32
    %dma_start3A_185 = tpu.memref_slice %arg15[%dma_start3A_174, %dma_start3A_183, %dma_start3A_184] : memref<4x128x128xf32, #tpu.memory_space<vmem>> -> memref<1x128x128xf32, #tpu.memory_space<vmem>>
    %dma_start3A_186 = tpu.memref_squeeze %dma_start3A_185 : memref<1x128x128xf32, #tpu.memory_space<vmem>> -> memref<128x128xf32, #tpu.memory_space<vmem>>
    tpu.enqueue_dma source(%dma_start3A_186 : memref<128x128xf32, #tpu.memory_space<vmem>>) target(%dma_start3A_182 : memref<128x128xf32, #tpu.memory_space<hbm>>) target_semaphore(%arg22 : memref<!tpu.dma_semaphore, #tpu.memory_space<semaphore_mem>>)
    %dma_wait3A_187 = arith.constant 1 : i32
    %dma_wait3A_188 = arith.constant 1 : i32
    %dma_wait3A_189 = arith.constant 0 : i32
    %dma_wait3A_190 = arith.constant 0 : i32
    %dma_wait3A_191 = tpu.memref_slice %arg15[%dma_wait3A_188, %dma_wait3A_189, %dma_wait3A_190] : memref<4x128x128xf32, #tpu.memory_space<vmem>> -> memref<1x128x128xf32, #tpu.memory_space<vmem>>
    %dma_wait3A_192 = tpu.memref_squeeze %dma_wait3A_191 : memref<1x128x128xf32, #tpu.memory_space<vmem>> -> memref<128x128xf32, #tpu.memory_space<vmem>>
    %dma_wait3A_193 = arith.constant 0 : i32
    %dma_wait3A_194 = tpu.memref_slice %arg13[%dma_wait3A_187, %dma_wait3A_193] : memref<2x128xi32, #tpu.memory_space<vmem>> -> memref<1x128xi32, #tpu.memory_space<vmem>>
    %dma_wait3A_195 = tpu.memref_squeeze %dma_wait3A_194 : memref<1x128xi32, #tpu.memory_space<vmem>> -> memref<128xi32, #tpu.memory_space<vmem>>
    %dma_wait3A_196 = arith.constant 0 : i32
    %dma_wait3A_197 = arith.constant 0 : i32
    %dma_wait3A_198 = tpu.memref_slice %arg5[%dma_wait3A_196, %dma_wait3A_197] : memref<1000000x128xf32, #tpu.memory_space<hbm>> -> memref<1000000x128xf32, #tpu.memory_space<hbm>>
    tpu.wait_indirect_dma semaphore(%arg19 : memref<!tpu.dma_semaphore, #tpu.memory_space<semaphore_mem>>) src(%dma_wait3A_198 : memref<1000000x128xf32, #tpu.memory_space<hbm>>) dst(%dma_wait3A_192 : memref<128x128xf32, #tpu.memory_space<vmem>>)
    %add3A_199 = arith.constant 128 : i32
    %add3A_200 = arith.addi %mul3A_2, %add3A_199 : i32
    %dma_start3A_201 = arith.constant 1 : i32
    %dma_start3A_202 = arith.constant 0 : i32
    %dma_start3A_203 = arith.constant 0 : i32
    %dma_start3A_204 = tpu.memref_slice %arg15[%dma_start3A_201, %dma_start3A_202, %dma_start3A_203] : memref<4x128x128xf32, #tpu.memory_space<vmem>> -> memref<1x128x128xf32, #tpu.memory_space<vmem>>
    %dma_start3A_205 = tpu.memref_squeeze %dma_start3A_204 : memref<1x128x128xf32, #tpu.memory_space<vmem>> -> memref<128x128xf32, #tpu.memory_space<vmem>>
    %dma_start3A_206 = arith.constant 0 : i32
    %dma_start3A_207 = tpu.memref_slice %arg8[%add3A_200, %dma_start3A_206] : memref<8192x128xf32, #tpu.memory_space<hbm>> -> memref<128x128xf32, #tpu.memory_space<hbm>>
    %dma_start3A_208 = arith.constant 0 : i32
    %dma_start3A_209 = tpu.memref_slice %arg8[%add3A_200, %dma_start3A_208] : memref<8192x128xf32, #tpu.memory_space<hbm>> -> memref<128x128xf32, #tpu.memory_space<hbm>>
    %dma_start3A_210 = arith.constant 0 : i32
    %dma_start3A_211 = arith.constant 0 : i32
    %dma_start3A_212 = tpu.memref_slice %arg15[%dma_start3A_201, %dma_start3A_210, %dma_start3A_211] : memref<4x128x128xf32, #tpu.memory_space<vmem>> -> memref<1x128x128xf32, #tpu.memory_space<vmem>>
    %dma_start3A_213 = tpu.memref_squeeze %dma_start3A_212 : memref<1x128x128xf32, #tpu.memory_space<vmem>> -> memref<128x128xf32, #tpu.memory_space<vmem>>
    tpu.enqueue_dma source(%dma_start3A_213 : memref<128x128xf32, #tpu.memory_space<vmem>>) target(%dma_start3A_209 : memref<128x128xf32, #tpu.memory_space<hbm>>) target_semaphore(%arg23 : memref<!tpu.dma_semaphore, #tpu.memory_space<semaphore_mem>>)
    %dma_wait3A_214 = arith.constant 0 : i32
    %dma_wait3A_215 = arith.constant 2 : i32
    %dma_wait3A_216 = arith.constant 0 : i32
    %dma_wait3A_217 = arith.constant 0 : i32
    %dma_wait3A_218 = tpu.memref_slice %arg15[%dma_wait3A_215, %dma_wait3A_216, %dma_wait3A_217] : memref<4x128x128xf32, #tpu.memory_space<vmem>> -> memref<1x128x128xf32, #tpu.memory_space<vmem>>
    %dma_wait3A_219 = tpu.memref_squeeze %dma_wait3A_218 : memref<1x128x128xf32, #tpu.memory_space<vmem>> -> memref<128x128xf32, #tpu.memory_space<vmem>>
    %dma_wait3A_220 = arith.constant 0 : i32
    %dma_wait3A_221 = tpu.memref_slice %arg14[%dma_wait3A_214, %dma_wait3A_220] : memref<2x128xi32, #tpu.memory_space<vmem>> -> memref<1x128xi32, #tpu.memory_space<vmem>>
    %dma_wait3A_222 = tpu.memref_squeeze %dma_wait3A_221 : memref<1x128xi32, #tpu.memory_space<vmem>> -> memref<128xi32, #tpu.memory_space<vmem>>
    %dma_wait3A_223 = arith.constant 0 : i32
    %dma_wait3A_224 = arith.constant 0 : i32
    %dma_wait3A_225 = tpu.memref_slice %arg6[%dma_wait3A_223, %dma_wait3A_224] : memref<1000000x128xf32, #tpu.memory_space<hbm>> -> memref<1000000x128xf32, #tpu.memory_space<hbm>>
    tpu.wait_indirect_dma semaphore(%arg20 : memref<!tpu.dma_semaphore, #tpu.memory_space<semaphore_mem>>) src(%dma_wait3A_225 : memref<1000000x128xf32, #tpu.memory_space<hbm>>) dst(%dma_wait3A_219 : memref<128x128xf32, #tpu.memory_space<vmem>>)
    %add3A_226 = arith.constant 0 : i32
    %add3A_227 = arith.addi %mul3A_2, %add3A_226 : i32
    %dma_start3A_228 = arith.constant 2 : i32
    %dma_start3A_229 = arith.constant 0 : i32
    %dma_start3A_230 = arith.constant 0 : i32
    %dma_start3A_231 = tpu.memref_slice %arg15[%dma_start3A_228, %dma_start3A_229, %dma_start3A_230] : memref<4x128x128xf32, #tpu.memory_space<vmem>> -> memref<1x128x128xf32, #tpu.memory_space<vmem>>
    %dma_start3A_232 = tpu.memref_squeeze %dma_start3A_231 : memref<1x128x128xf32, #tpu.memory_space<vmem>> -> memref<128x128xf32, #tpu.memory_space<vmem>>
    %dma_start3A_233 = arith.constant 0 : i32
    %dma_start3A_234 = tpu.memref_slice %arg9[%add3A_227, %dma_start3A_233] : memref<8192x128xf32, #tpu.memory_space<hbm>> -> memref<128x128xf32, #tpu.memory_space<hbm>>
    %dma_start3A_235 = arith.constant 0 : i32
    %dma_start3A_236 = tpu.memref_slice %arg9[%add3A_227, %dma_start3A_235] : memref<8192x128xf32, #tpu.memory_space<hbm>> -> memref<128x128xf32, #tpu.memory_space<hbm>>
    %dma_start3A_237 = arith.constant 0 : i32
    %dma_start3A_238 = arith.constant 0 : i32
    %dma_start3A_239 = tpu.memref_slice %arg15[%dma_start3A_228, %dma_start3A_237, %dma_start3A_238] : memref<4x128x128xf32, #tpu.memory_space<vmem>> -> memref<1x128x128xf32, #tpu.memory_space<vmem>>
    %dma_start3A_240 = tpu.memref_squeeze %dma_start3A_239 : memref<1x128x128xf32, #tpu.memory_space<vmem>> -> memref<128x128xf32, #tpu.memory_space<vmem>>
    tpu.enqueue_dma source(%dma_start3A_240 : memref<128x128xf32, #tpu.memory_space<vmem>>) target(%dma_start3A_236 : memref<128x128xf32, #tpu.memory_space<hbm>>) target_semaphore(%arg24 : memref<!tpu.dma_semaphore, #tpu.memory_space<semaphore_mem>>)
    %dma_wait3A_241 = arith.constant 1 : i32
    %dma_wait3A_242 = arith.constant 3 : i32
    %dma_wait3A_243 = arith.constant 0 : i32
    %dma_wait3A_244 = arith.constant 0 : i32
    %dma_wait3A_245 = tpu.memref_slice %arg15[%dma_wait3A_242, %dma_wait3A_243, %dma_wait3A_244] : memref<4x128x128xf32, #tpu.memory_space<vmem>> -> memref<1x128x128xf32, #tpu.memory_space<vmem>>
    %dma_wait3A_246 = tpu.memref_squeeze %dma_wait3A_245 : memref<1x128x128xf32, #tpu.memory_space<vmem>> -> memref<128x128xf32, #tpu.memory_space<vmem>>
    %dma_wait3A_247 = arith.constant 0 : i32
    %dma_wait3A_248 = tpu.memref_slice %arg14[%dma_wait3A_241, %dma_wait3A_247] : memref<2x128xi32, #tpu.memory_space<vmem>> -> memref<1x128xi32, #tpu.memory_space<vmem>>
    %dma_wait3A_249 = tpu.memref_squeeze %dma_wait3A_248 : memref<1x128xi32, #tpu.memory_space<vmem>> -> memref<128xi32, #tpu.memory_space<vmem>>
    %dma_wait3A_250 = arith.constant 0 : i32
    %dma_wait3A_251 = arith.constant 0 : i32
    %dma_wait3A_252 = tpu.memref_slice %arg6[%dma_wait3A_250, %dma_wait3A_251] : memref<1000000x128xf32, #tpu.memory_space<hbm>> -> memref<1000000x128xf32, #tpu.memory_space<hbm>>
    tpu.wait_indirect_dma semaphore(%arg21 : memref<!tpu.dma_semaphore, #tpu.memory_space<semaphore_mem>>) src(%dma_wait3A_252 : memref<1000000x128xf32, #tpu.memory_space<hbm>>) dst(%dma_wait3A_246 : memref<128x128xf32, #tpu.memory_space<vmem>>)
    %add3A_253 = arith.constant 128 : i32
    %add3A_254 = arith.addi %mul3A_2, %add3A_253 : i32
    %dma_start3A_255 = arith.constant 3 : i32
    %dma_start3A_256 = arith.constant 0 : i32
    %dma_start3A_257 = arith.constant 0 : i32
    %dma_start3A_258 = tpu.memref_slice %arg15[%dma_start3A_255, %dma_start3A_256, %dma_start3A_257] : memref<4x128x128xf32, #tpu.memory_space<vmem>> -> memref<1x128x128xf32, #tpu.memory_space<vmem>>
    %dma_start3A_259 = tpu.memref_squeeze %dma_start3A_258 : memref<1x128x128xf32, #tpu.memory_space<vmem>> -> memref<128x128xf32, #tpu.memory_space<vmem>>
    %dma_start3A_260 = arith.constant 0 : i32
    %dma_start3A_261 = tpu.memref_slice %arg9[%add3A_254, %dma_start3A_260] : memref<8192x128xf32, #tpu.memory_space<hbm>> -> memref<128x128xf32, #tpu.memory_space<hbm>>
    %dma_start3A_262 = arith.constant 0 : i32
    %dma_start3A_263 = tpu.memref_slice %arg9[%add3A_254, %dma_start3A_262] : memref<8192x128xf32, #tpu.memory_space<hbm>> -> memref<128x128xf32, #tpu.memory_space<hbm>>
    %dma_start3A_264 = arith.constant 0 : i32
    %dma_start3A_265 = arith.constant 0 : i32
    %dma_start3A_266 = tpu.memref_slice %arg15[%dma_start3A_255, %dma_start3A_264, %dma_start3A_265] : memref<4x128x128xf32, #tpu.memory_space<vmem>> -> memref<1x128x128xf32, #tpu.memory_space<vmem>>
    %dma_start3A_267 = tpu.memref_squeeze %dma_start3A_266 : memref<1x128x128xf32, #tpu.memory_space<vmem>> -> memref<128x128xf32, #tpu.memory_space<vmem>>
    tpu.enqueue_dma source(%dma_start3A_267 : memref<128x128xf32, #tpu.memory_space<vmem>>) target(%dma_start3A_263 : memref<128x128xf32, #tpu.memory_space<hbm>>) target_semaphore(%arg25 : memref<!tpu.dma_semaphore, #tpu.memory_space<semaphore_mem>>)
    %dma_wait3A_268 = arith.constant 0 : i32
    %dma_wait3A_269 = arith.constant 0 : i32
    %dma_wait3A_270 = arith.constant 0 : i32
    %dma_wait3A_271 = tpu.memref_slice %arg15[%dma_wait3A_268, %dma_wait3A_269, %dma_wait3A_270] : memref<4x128x128xf32, #tpu.memory_space<vmem>> -> memref<1x128x128xf32, #tpu.memory_space<vmem>>
    %dma_wait3A_272 = tpu.memref_squeeze %dma_wait3A_271 : memref<1x128x128xf32, #tpu.memory_space<vmem>> -> memref<128x128xf32, #tpu.memory_space<vmem>>
    %dma_wait3A_273 = arith.constant 0 : i32
    %dma_wait3A_274 = tpu.memref_slice %arg8[%add3A_173, %dma_wait3A_273] : memref<8192x128xf32, #tpu.memory_space<hbm>> -> memref<128x128xf32, #tpu.memory_space<hbm>>
    %dma_wait3A_275 = arith.constant 0 : i32
    %dma_wait3A_276 = tpu.memref_slice %arg8[%add3A_173, %dma_wait3A_275] : memref<8192x128xf32, #tpu.memory_space<hbm>> -> memref<128x128xf32, #tpu.memory_space<hbm>>
    %dma_wait3A_277 = arith.constant 0 : i32
    %dma_wait3A_278 = arith.constant 0 : i32
    %dma_wait3A_279 = tpu.memref_slice %arg15[%dma_wait3A_268, %dma_wait3A_277, %dma_wait3A_278] : memref<4x128x128xf32, #tpu.memory_space<vmem>> -> memref<1x128x128xf32, #tpu.memory_space<vmem>>
    %dma_wait3A_280 = tpu.memref_squeeze %dma_wait3A_279 : memref<1x128x128xf32, #tpu.memory_space<vmem>> -> memref<128x128xf32, #tpu.memory_space<vmem>>
    tpu.wait_dma2 semaphore(%arg22 : memref<!tpu.dma_semaphore, #tpu.memory_space<semaphore_mem>>) src(%dma_wait3A_280 : memref<128x128xf32, #tpu.memory_space<vmem>>) dst(%dma_wait3A_276 : memref<128x128xf32, #tpu.memory_space<hbm>>)
    %dma_wait3A_281 = arith.constant 1 : i32
    %dma_wait3A_282 = arith.constant 0 : i32
    %dma_wait3A_283 = arith.constant 0 : i32
    %dma_wait3A_284 = tpu.memref_slice %arg15[%dma_wait3A_281, %dma_wait3A_282, %dma_wait3A_283] : memref<4x128x128xf32, #tpu.memory_space<vmem>> -> memref<1x128x128xf32, #tpu.memory_space<vmem>>
    %dma_wait3A_285 = tpu.memref_squeeze %dma_wait3A_284 : memref<1x128x128xf32, #tpu.memory_space<vmem>> -> memref<128x128xf32, #tpu.memory_space<vmem>>
    %dma_wait3A_286 = arith.constant 0 : i32
    %dma_wait3A_287 = tpu.memref_slice %arg8[%add3A_200, %dma_wait3A_286] : memref<8192x128xf32, #tpu.memory_space<hbm>> -> memref<128x128xf32, #tpu.memory_space<hbm>>
    %dma_wait3A_288 = arith.constant 0 : i32
    %dma_wait3A_289 = tpu.memref_slice %arg8[%add3A_200, %dma_wait3A_288] : memref<8192x128xf32, #tpu.memory_space<hbm>> -> memref<128x128xf32, #tpu.memory_space<hbm>>
    %dma_wait3A_290 = arith.constant 0 : i32
    %dma_wait3A_291 = arith.constant 0 : i32
    %dma_wait3A_292 = tpu.memref_slice %arg15[%dma_wait3A_281, %dma_wait3A_290, %dma_wait3A_291] : memref<4x128x128xf32, #tpu.memory_space<vmem>> -> memref<1x128x128xf32, #tpu.memory_space<vmem>>
    %dma_wait3A_293 = tpu.memref_squeeze %dma_wait3A_292 : memref<1x128x128xf32, #tpu.memory_space<vmem>> -> memref<128x128xf32, #tpu.memory_space<vmem>>
    tpu.wait_dma2 semaphore(%arg23 : memref<!tpu.dma_semaphore, #tpu.memory_space<semaphore_mem>>) src(%dma_wait3A_293 : memref<128x128xf32, #tpu.memory_space<vmem>>) dst(%dma_wait3A_289 : memref<128x128xf32, #tpu.memory_space<hbm>>)
    %dma_wait3A_294 = arith.constant 2 : i32
    %dma_wait3A_295 = arith.constant 0 : i32
    %dma_wait3A_296 = arith.constant 0 : i32
    %dma_wait3A_297 = tpu.memref_slice %arg15[%dma_wait3A_294, %dma_wait3A_295, %dma_wait3A_296] : memref<4x128x128xf32, #tpu.memory_space<vmem>> -> memref<1x128x128xf32, #tpu.memory_space<vmem>>
    %dma_wait3A_298 = tpu.memref_squeeze %dma_wait3A_297 : memref<1x128x128xf32, #tpu.memory_space<vmem>> -> memref<128x128xf32, #tpu.memory_space<vmem>>
    %dma_wait3A_299 = arith.constant 0 : i32
    %dma_wait3A_300 = tpu.memref_slice %arg9[%add3A_227, %dma_wait3A_299] : memref<8192x128xf32, #tpu.memory_space<hbm>> -> memref<128x128xf32, #tpu.memory_space<hbm>>
    %dma_wait3A_301 = arith.constant 0 : i32
    %dma_wait3A_302 = tpu.memref_slice %arg9[%add3A_227, %dma_wait3A_301] : memref<8192x128xf32, #tpu.memory_space<hbm>> -> memref<128x128xf32, #tpu.memory_space<hbm>>
    %dma_wait3A_303 = arith.constant 0 : i32
    %dma_wait3A_304 = arith.constant 0 : i32
    %dma_wait3A_305 = tpu.memref_slice %arg15[%dma_wait3A_294, %dma_wait3A_303, %dma_wait3A_304] : memref<4x128x128xf32, #tpu.memory_space<vmem>> -> memref<1x128x128xf32, #tpu.memory_space<vmem>>
    %dma_wait3A_306 = tpu.memref_squeeze %dma_wait3A_305 : memref<1x128x128xf32, #tpu.memory_space<vmem>> -> memref<128x128xf32, #tpu.memory_space<vmem>>
    tpu.wait_dma2 semaphore(%arg24 : memref<!tpu.dma_semaphore, #tpu.memory_space<semaphore_mem>>) src(%dma_wait3A_306 : memref<128x128xf32, #tpu.memory_space<vmem>>) dst(%dma_wait3A_302 : memref<128x128xf32, #tpu.memory_space<hbm>>)
    %dma_wait3A_307 = arith.constant 3 : i32
    %dma_wait3A_308 = arith.constant 0 : i32
    %dma_wait3A_309 = arith.constant 0 : i32
    %dma_wait3A_310 = tpu.memref_slice %arg15[%dma_wait3A_307, %dma_wait3A_308, %dma_wait3A_309] : memref<4x128x128xf32, #tpu.memory_space<vmem>> -> memref<1x128x128xf32, #tpu.memory_space<vmem>>
    %dma_wait3A_311 = tpu.memref_squeeze %dma_wait3A_310 : memref<1x128x128xf32, #tpu.memory_space<vmem>> -> memref<128x128xf32, #tpu.memory_space<vmem>>
    %dma_wait3A_312 = arith.constant 0 : i32
    %dma_wait3A_313 = tpu.memref_slice %arg9[%add3A_254, %dma_wait3A_312] : memref<8192x128xf32, #tpu.memory_space<hbm>> -> memref<128x128xf32, #tpu.memory_space<hbm>>
    %dma_wait3A_314 = arith.constant 0 : i32
    %dma_wait3A_315 = tpu.memref_slice %arg9[%add3A_254, %dma_wait3A_314] : memref<8192x128xf32, #tpu.memory_space<hbm>> -> memref<128x128xf32, #tpu.memory_space<hbm>>
    %dma_wait3A_316 = arith.constant 0 : i32
    %dma_wait3A_317 = arith.constant 0 : i32
    %dma_wait3A_318 = tpu.memref_slice %arg15[%dma_wait3A_307, %dma_wait3A_316, %dma_wait3A_317] : memref<4x128x128xf32, #tpu.memory_space<vmem>> -> memref<1x128x128xf32, #tpu.memory_space<vmem>>
    %dma_wait3A_319 = tpu.memref_squeeze %dma_wait3A_318 : memref<1x128x128xf32, #tpu.memory_space<vmem>> -> memref<128x128xf32, #tpu.memory_space<vmem>>
    tpu.wait_dma2 semaphore(%arg25 : memref<!tpu.dma_semaphore, #tpu.memory_space<semaphore_mem>>) src(%dma_wait3A_319 : memref<128x128xf32, #tpu.memory_space<vmem>>) dst(%dma_wait3A_315 : memref<128x128xf32, #tpu.memory_space<hbm>>)
    %dma_wait3A_320 = arith.constant 0 : i32
    %dma_wait3A_321 = arith.constant 0 : i32
    %dma_wait3A_322 = tpu.memref_slice %arg6[%dma_wait3A_320, %dma_wait3A_321] : memref<1000000x128xf32, #tpu.memory_space<hbm>> -> memref<1000000x128xf32, #tpu.memory_space<hbm>>
    tpu.wait_indirect_dma semaphore(%arg26 : memref<!tpu.dma_semaphore, #tpu.memory_space<semaphore_mem>>) src(%dma_wait3A_322 : memref<1000000x128xf32, #tpu.memory_space<hbm>>) dst(%arg28 : memref<32x128xf32, #tpu.memory_space<vmem>>)
    %dma_wait3A_323 = arith.constant 0 : i32
    %dma_wait3A_324 = tpu.memref_slice %arg7[%dma_wait3A_323] : memref<1000000xf32, #tpu.memory_space<hbm>> -> memref<1000000xf32, #tpu.memory_space<hbm>>
    tpu.wait_indirect_dma semaphore(%arg26 : memref<!tpu.dma_semaphore, #tpu.memory_space<semaphore_mem>>) src(%dma_wait3A_324 : memref<1000000xf32, #tpu.memory_space<hbm>>) dst(%arg29 : memref<32xf32, #tpu.memory_space<vmem>>)
    %dma_wait3A_325 = arith.constant 0 : i32
    %dma_wait3A_326 = arith.constant 0 : i32
    %dma_wait3A_327 = arith.constant 0 : i32
    %dma_wait3A_328 = tpu.memref_slice %arg16[%dma_wait3A_326, %dma_wait3A_327] : memref<2x128xf32, #tpu.memory_space<vmem>> -> memref<1x128xf32, #tpu.memory_space<vmem>>
    %dma_wait3A_329 = tpu.memref_squeeze %dma_wait3A_328 : memref<1x128xf32, #tpu.memory_space<vmem>> -> memref<128xf32, #tpu.memory_space<vmem>>
    %dma_wait3A_330 = arith.constant 0 : i32
    %dma_wait3A_331 = tpu.memref_slice %arg14[%dma_wait3A_325, %dma_wait3A_330] : memref<2x128xi32, #tpu.memory_space<vmem>> -> memref<1x128xi32, #tpu.memory_space<vmem>>
    %dma_wait3A_332 = tpu.memref_squeeze %dma_wait3A_331 : memref<1x128xi32, #tpu.memory_space<vmem>> -> memref<128xi32, #tpu.memory_space<vmem>>
    %dma_wait3A_333 = arith.constant 0 : i32
    %dma_wait3A_334 = tpu.memref_slice %arg7[%dma_wait3A_333] : memref<1000000xf32, #tpu.memory_space<hbm>> -> memref<1000000xf32, #tpu.memory_space<hbm>>
    tpu.wait_indirect_dma semaphore(%arg26 : memref<!tpu.dma_semaphore, #tpu.memory_space<semaphore_mem>>) src(%dma_wait3A_334 : memref<1000000xf32, #tpu.memory_space<hbm>>) dst(%dma_wait3A_329 : memref<128xf32, #tpu.memory_space<vmem>>)
    %dma_wait3A_335 = arith.constant 1 : i32
    %dma_wait3A_336 = arith.constant 1 : i32
    %dma_wait3A_337 = arith.constant 0 : i32
    %dma_wait3A_338 = tpu.memref_slice %arg16[%dma_wait3A_336, %dma_wait3A_337] : memref<2x128xf32, #tpu.memory_space<vmem>> -> memref<1x128xf32, #tpu.memory_space<vmem>>
    %dma_wait3A_339 = tpu.memref_squeeze %dma_wait3A_338 : memref<1x128xf32, #tpu.memory_space<vmem>> -> memref<128xf32, #tpu.memory_space<vmem>>
    %dma_wait3A_340 = arith.constant 0 : i32
    %dma_wait3A_341 = tpu.memref_slice %arg14[%dma_wait3A_335, %dma_wait3A_340] : memref<2x128xi32, #tpu.memory_space<vmem>> -> memref<1x128xi32, #tpu.memory_space<vmem>>
    %dma_wait3A_342 = tpu.memref_squeeze %dma_wait3A_341 : memref<1x128xi32, #tpu.memory_space<vmem>> -> memref<128xi32, #tpu.memory_space<vmem>>
    %dma_wait3A_343 = arith.constant 0 : i32
    %dma_wait3A_344 = tpu.memref_slice %arg7[%dma_wait3A_343] : memref<1000000xf32, #tpu.memory_space<hbm>> -> memref<1000000xf32, #tpu.memory_space<hbm>>
    tpu.wait_indirect_dma semaphore(%arg26 : memref<!tpu.dma_semaphore, #tpu.memory_space<semaphore_mem>>) src(%dma_wait3A_344 : memref<1000000xf32, #tpu.memory_space<hbm>>) dst(%dma_wait3A_339 : memref<128xf32, #tpu.memory_space<vmem>>)
    "tpu.region"() ({
      %run_scoped3A_350 = tpu.sem_alloc : memref<!tpu.dma_semaphore, #tpu.memory_space<semaphore_mem>>
      %dma_start3A_351 = arith.constant 0 : i32
      %dma_start3A_352 = tpu.memref_slice %arg11[%mul3A_4, %dma_start3A_351] : memref<1024x128xf32, #tpu.memory_space<hbm>> -> memref<32x128xf32, #tpu.memory_space<hbm>>
      %dma_start3A_353 = arith.constant 0 : i32
      %dma_start3A_354 = tpu.memref_slice %arg11[%mul3A_4, %dma_start3A_353] : memref<1024x128xf32, #tpu.memory_space<hbm>> -> memref<32x128xf32, #tpu.memory_space<hbm>>
      tpu.enqueue_dma source(%arg28 : memref<32x128xf32, #tpu.memory_space<vmem>>) target(%dma_start3A_354 : memref<32x128xf32, #tpu.memory_space<hbm>>) target_semaphore(%run_scoped3A_350 : memref<!tpu.dma_semaphore, #tpu.memory_space<semaphore_mem>>)
      %dma_wait3A_355 = arith.constant 0 : i32
      %dma_wait3A_356 = tpu.memref_slice %arg11[%mul3A_4, %dma_wait3A_355] : memref<1024x128xf32, #tpu.memory_space<hbm>> -> memref<32x128xf32, #tpu.memory_space<hbm>>
      %dma_wait3A_357 = arith.constant 0 : i32
      %dma_wait3A_358 = tpu.memref_slice %arg11[%mul3A_4, %dma_wait3A_357] : memref<1024x128xf32, #tpu.memory_space<hbm>> -> memref<32x128xf32, #tpu.memory_space<hbm>>
      tpu.wait_dma2 semaphore(%run_scoped3A_350 : memref<!tpu.dma_semaphore, #tpu.memory_space<semaphore_mem>>) src(%arg28 : memref<32x128xf32, #tpu.memory_space<vmem>>) dst(%dma_wait3A_358 : memref<32x128xf32, #tpu.memory_space<hbm>>)
      tpu.yield
    }) : () -> ()
    "tpu.region"() ({
      %run_scoped3A_350 = tpu.sem_alloc : memref<!tpu.dma_semaphore, #tpu.memory_space<semaphore_mem>>
      %dma_start3A_351 = tpu.memref_slice %arg12[%mul3A_4] : memref<1024xf32, #tpu.memory_space<hbm>> -> memref<32xf32, #tpu.memory_space<hbm>>
      %dma_start3A_352 = tpu.memref_slice %arg12[%mul3A_4] : memref<1024xf32, #tpu.memory_space<hbm>> -> memref<32xf32, #tpu.memory_space<hbm>>
      tpu.enqueue_dma source(%arg29 : memref<32xf32, #tpu.memory_space<vmem>>) target(%dma_start3A_352 : memref<32xf32, #tpu.memory_space<hbm>>) target_semaphore(%run_scoped3A_350 : memref<!tpu.dma_semaphore, #tpu.memory_space<semaphore_mem>>)
      %dma_wait3A_353 = tpu.memref_slice %arg12[%mul3A_4] : memref<1024xf32, #tpu.memory_space<hbm>> -> memref<32xf32, #tpu.memory_space<hbm>>
      %dma_wait3A_354 = tpu.memref_slice %arg12[%mul3A_4] : memref<1024xf32, #tpu.memory_space<hbm>> -> memref<32xf32, #tpu.memory_space<hbm>>
      tpu.wait_dma2 semaphore(%run_scoped3A_350 : memref<!tpu.dma_semaphore, #tpu.memory_space<semaphore_mem>>) src(%arg29 : memref<32xf32, #tpu.memory_space<vmem>>) dst(%dma_wait3A_354 : memref<32xf32, #tpu.memory_space<hbm>>)
      tpu.yield
    }) : () -> ()
    %add3A_345 = arith.constant 0 : i32
    %add3A_346 = arith.addi %mul3A_2, %add3A_345 : i32
    %run_scoped3A = arith.constant 0 : i32
    "tpu.region"() ({
      %run_scoped3A_350 = tpu.sem_alloc : memref<!tpu.dma_semaphore, #tpu.memory_space<semaphore_mem>>
      %dma_start3A_351 = arith.constant 0 : i32
      %dma_start3A_352 = tpu.memref_slice %arg16[%run_scoped3A, %dma_start3A_351] : memref<2x128xf32, #tpu.memory_space<vmem>> -> memref<1x128xf32, #tpu.memory_space<vmem>>
      %dma_start3A_353 = tpu.memref_squeeze %dma_start3A_352 : memref<1x128xf32, #tpu.memory_space<vmem>> -> memref<128xf32, #tpu.memory_space<vmem>>
      %dma_start3A_354 = tpu.memref_slice %arg10[%add3A_346] : memref<8192xf32, #tpu.memory_space<hbm>> -> memref<128xf32, #tpu.memory_space<hbm>>
      %dma_start3A_355 = tpu.memref_slice %arg10[%add3A_346] : memref<8192xf32, #tpu.memory_space<hbm>> -> memref<128xf32, #tpu.memory_space<hbm>>
      %dma_start3A_356 = arith.constant 0 : i32
      %dma_start3A_357 = tpu.memref_slice %arg16[%run_scoped3A, %dma_start3A_356] : memref<2x128xf32, #tpu.memory_space<vmem>> -> memref<1x128xf32, #tpu.memory_space<vmem>>
      %dma_start3A_358 = tpu.memref_squeeze %dma_start3A_357 : memref<1x128xf32, #tpu.memory_space<vmem>> -> memref<128xf32, #tpu.memory_space<vmem>>
      tpu.enqueue_dma source(%dma_start3A_358 : memref<128xf32, #tpu.memory_space<vmem>>) target(%dma_start3A_355 : memref<128xf32, #tpu.memory_space<hbm>>) target_semaphore(%run_scoped3A_350 : memref<!tpu.dma_semaphore, #tpu.memory_space<semaphore_mem>>)
      %dma_wait3A_359 = arith.constant 0 : i32
      %dma_wait3A_360 = tpu.memref_slice %arg16[%run_scoped3A, %dma_wait3A_359] : memref<2x128xf32, #tpu.memory_space<vmem>> -> memref<1x128xf32, #tpu.memory_space<vmem>>
      %dma_wait3A_361 = tpu.memref_squeeze %dma_wait3A_360 : memref<1x128xf32, #tpu.memory_space<vmem>> -> memref<128xf32, #tpu.memory_space<vmem>>
      %dma_wait3A_362 = tpu.memref_slice %arg10[%add3A_346] : memref<8192xf32, #tpu.memory_space<hbm>> -> memref<128xf32, #tpu.memory_space<hbm>>
      %dma_wait3A_363 = tpu.memref_slice %arg10[%add3A_346] : memref<8192xf32, #tpu.memory_space<hbm>> -> memref<128xf32, #tpu.memory_space<hbm>>
      %dma_wait3A_364 = arith.constant 0 : i32
      %dma_wait3A_365 = tpu.memref_slice %arg16[%run_scoped3A, %dma_wait3A_364] : memref<2x128xf32, #tpu.memory_space<vmem>> -> memref<1x128xf32, #tpu.memory_space<vmem>>
      %dma_wait3A_366 = tpu.memref_squeeze %dma_wait3A_365 : memref<1x128xf32, #tpu.memory_space<vmem>> -> memref<128xf32, #tpu.memory_space<vmem>>
      tpu.wait_dma2 semaphore(%run_scoped3A_350 : memref<!tpu.dma_semaphore, #tpu.memory_space<semaphore_mem>>) src(%dma_wait3A_366 : memref<128xf32, #tpu.memory_space<vmem>>) dst(%dma_wait3A_363 : memref<128xf32, #tpu.memory_space<hbm>>)
      tpu.yield
    }) : () -> ()
    %add3A_347 = arith.constant 128 : i32
    %add3A_348 = arith.addi %mul3A_2, %add3A_347 : i32
    %run_scoped3A_349 = arith.constant 1 : i32
    "tpu.region"() ({
      %run_scoped3A_350 = tpu.sem_alloc : memref<!tpu.dma_semaphore, #tpu.memory_space<semaphore_mem>>
      %dma_start3A_351 = arith.constant 0 : i32
      %dma_start3A_352 = tpu.memref_slice %arg16[%run_scoped3A_349, %dma_start3A_351] : memref<2x128xf32, #tpu.memory_space<vmem>> -> memref<1x128xf32, #tpu.memory_space<vmem>>
      %dma_start3A_353 = tpu.memref_squeeze %dma_start3A_352 : memref<1x128xf32, #tpu.memory_space<vmem>> -> memref<128xf32, #tpu.memory_space<vmem>>
      %dma_start3A_354 = tpu.memref_slice %arg10[%add3A_348] : memref<8192xf32, #tpu.memory_space<hbm>> -> memref<128xf32, #tpu.memory_space<hbm>>
      %dma_start3A_355 = tpu.memref_slice %arg10[%add3A_348] : memref<8192xf32, #tpu.memory_space<hbm>> -> memref<128xf32, #tpu.memory_space<hbm>>
      %dma_start3A_356 = arith.constant 0 : i32
      %dma_start3A_357 = tpu.memref_slice %arg16[%run_scoped3A_349, %dma_start3A_356] : memref<2x128xf32, #tpu.memory_space<vmem>> -> memref<1x128xf32, #tpu.memory_space<vmem>>
      %dma_start3A_358 = tpu.memref_squeeze %dma_start3A_357 : memref<1x128xf32, #tpu.memory_space<vmem>> -> memref<128xf32, #tpu.memory_space<vmem>>
      tpu.enqueue_dma source(%dma_start3A_358 : memref<128xf32, #tpu.memory_space<vmem>>) target(%dma_start3A_355 : memref<128xf32, #tpu.memory_space<hbm>>) target_semaphore(%run_scoped3A_350 : memref<!tpu.dma_semaphore, #tpu.memory_space<semaphore_mem>>)
      %dma_wait3A_359 = arith.constant 0 : i32
      %dma_wait3A_360 = tpu.memref_slice %arg16[%run_scoped3A_349, %dma_wait3A_359] : memref<2x128xf32, #tpu.memory_space<vmem>> -> memref<1x128xf32, #tpu.memory_space<vmem>>
      %dma_wait3A_361 = tpu.memref_squeeze %dma_wait3A_360 : memref<1x128xf32, #tpu.memory_space<vmem>> -> memref<128xf32, #tpu.memory_space<vmem>>
      %dma_wait3A_362 = tpu.memref_slice %arg10[%add3A_348] : memref<8192xf32, #tpu.memory_space<hbm>> -> memref<128xf32, #tpu.memory_space<hbm>>
      %dma_wait3A_363 = tpu.memref_slice %arg10[%add3A_348] : memref<8192xf32, #tpu.memory_space<hbm>> -> memref<128xf32, #tpu.memory_space<hbm>>
      %dma_wait3A_364 = arith.constant 0 : i32
      %dma_wait3A_365 = tpu.memref_slice %arg16[%run_scoped3A_349, %dma_wait3A_364] : memref<2x128xf32, #tpu.memory_space<vmem>> -> memref<1x128xf32, #tpu.memory_space<vmem>>
      %dma_wait3A_366 = tpu.memref_squeeze %dma_wait3A_365 : memref<1x128xf32, #tpu.memory_space<vmem>> -> memref<128xf32, #tpu.memory_space<vmem>>
      tpu.wait_dma2 semaphore(%run_scoped3A_350 : memref<!tpu.dma_semaphore, #tpu.memory_space<semaphore_mem>>) src(%dma_wait3A_366 : memref<128xf32, #tpu.memory_space<vmem>>) dst(%dma_wait3A_363 : memref<128xf32, #tpu.memory_space<hbm>>)
      tpu.yield
    }) : () -> ()
    return
  }
}

#map = affine_map<(d0, d1) -> (0)>
#map1 = affine_map<(d0, d1) -> (0, 0)>
module attributes {stable_mosaic.version = 14 : i64} {
  func.func @gather_kernel(%arg0: i32, %arg1: i32, %arg2: memref<16384xi32, #tpu.memory_space<hbm>>, %arg3: memref<16384xi32, #tpu.memory_space<hbm>>, %arg4: memref<1000000x128xf32, #tpu.memory_space<hbm>>, %arg5: memref<1000000x128xf32, #tpu.memory_space<hbm>>, %arg6: memref<1000000xf32, #tpu.memory_space<hbm>>, %arg7: memref<8192x128xf32, #tpu.memory_space<hbm>>, %arg8: memref<8192x128xf32, #tpu.memory_space<hbm>>, %arg9: memref<8192xf32, #tpu.memory_space<hbm>>, %arg10: memref<2x128xi32, #tpu.memory_space<vmem>>, %arg11: memref<2x128xi32, #tpu.memory_space<vmem>>, %arg12: memref<4x128x128xf32, #tpu.memory_space<vmem>>, %arg13: memref<2x128xf32, #tpu.memory_space<vmem>>, %arg14: memref<!tpu.dma_semaphore, #tpu.memory_space<semaphore_mem>>, %arg15: memref<!tpu.dma_semaphore, #tpu.memory_space<semaphore_mem>>, %arg16: memref<!tpu.dma_semaphore, #tpu.memory_space<semaphore_mem>>, %arg17: memref<!tpu.dma_semaphore, #tpu.memory_space<semaphore_mem>>, %arg18: memref<!tpu.dma_semaphore, #tpu.memory_space<semaphore_mem>>, %arg19: memref<!tpu.dma_semaphore, #tpu.memory_space<semaphore_mem>>, %arg20: memref<!tpu.dma_semaphore, #tpu.memory_space<semaphore_mem>>, %arg21: memref<!tpu.dma_semaphore, #tpu.memory_space<semaphore_mem>>, %arg22: memref<!tpu.dma_semaphore, #tpu.memory_space<semaphore_mem>>, %arg23: memref<!tpu.dma_semaphore, #tpu.memory_space<semaphore_mem>>) attributes {dimension_semantics = [#tpu.dimension_semantics<core_parallel>, #tpu.dimension_semantics<subcore_parallel>], iteration_bounds = array<i64: 2, 16>, scalar_prefetch = 0 : i64, scratch_operands = 14 : i64, tpu.core_type = #tpu.core_type<sc_vector_subcore>, window_params = [{transform_indices = #map}, {transform_indices = #map}, {transform_indices = #map1}, {transform_indices = #map1}, {transform_indices = #map}, {transform_indices = #map1}, {transform_indices = #map1}, {transform_indices = #map}]} {
    %mul3A = arith.constant 2 : i32
    %mul3A_0 = arith.muli %arg1, %mul3A : i32
    %add3A = arith.addi %mul3A_0, %arg0 : i32
    %mul3A_1 = arith.constant 256 : i32
    %mul3A_2 = arith.muli %add3A, %mul3A_1 : i32
    %mul3A_3 = arith.constant 1 : i32
    %mul3A_4 = arith.muli %add3A, %mul3A_3 : i32
    %add3A_5 = arith.constant 8192 : i32
    %add3A_6 = arith.addi %add3A_5, %mul3A_2 : i32
    %add3A_7 = arith.constant 0 : i32
    %add3A_8 = arith.addi %add3A_6, %add3A_7 : i32
    %dma_start3A = arith.constant 0 : i32
    %dma_start3A_9 = arith.constant 0 : i32
    %dma_start3A_10 = tpu.memref_slice %arg10[%dma_start3A, %dma_start3A_9] : memref<2x128xi32, #tpu.memory_space<vmem>> -> memref<1x128xi32, #tpu.memory_space<vmem>>
    %dma_start3A_11 = tpu.memref_squeeze %dma_start3A_10 : memref<1x128xi32, #tpu.memory_space<vmem>> -> memref<128xi32, #tpu.memory_space<vmem>>
    %dma_start3A_12 = tpu.memref_slice %arg2[%add3A_8] : memref<16384xi32, #tpu.memory_space<hbm>> -> memref<128xi32, #tpu.memory_space<hbm>>
    %dma_start3A_13 = arith.constant 0 : i32
    %dma_start3A_14 = tpu.memref_slice %arg10[%dma_start3A, %dma_start3A_13] : memref<2x128xi32, #tpu.memory_space<vmem>> -> memref<1x128xi32, #tpu.memory_space<vmem>>
    %dma_start3A_15 = tpu.memref_squeeze %dma_start3A_14 : memref<1x128xi32, #tpu.memory_space<vmem>> -> memref<128xi32, #tpu.memory_space<vmem>>
    %dma_start3A_16 = tpu.memref_slice %arg2[%add3A_8] : memref<16384xi32, #tpu.memory_space<hbm>> -> memref<128xi32, #tpu.memory_space<hbm>>
    tpu.enqueue_dma source(%dma_start3A_16 : memref<128xi32, #tpu.memory_space<hbm>>) target(%dma_start3A_15 : memref<128xi32, #tpu.memory_space<vmem>>) target_semaphore(%arg14 : memref<!tpu.dma_semaphore, #tpu.memory_space<semaphore_mem>>)
    %dma_start3A_17 = arith.constant 0 : i32
    %dma_start3A_18 = arith.constant 0 : i32
    %dma_start3A_19 = tpu.memref_slice %arg11[%dma_start3A_17, %dma_start3A_18] : memref<2x128xi32, #tpu.memory_space<vmem>> -> memref<1x128xi32, #tpu.memory_space<vmem>>
    %dma_start3A_20 = tpu.memref_squeeze %dma_start3A_19 : memref<1x128xi32, #tpu.memory_space<vmem>> -> memref<128xi32, #tpu.memory_space<vmem>>
    %dma_start3A_21 = tpu.memref_slice %arg3[%add3A_8] : memref<16384xi32, #tpu.memory_space<hbm>> -> memref<128xi32, #tpu.memory_space<hbm>>
    %dma_start3A_22 = arith.constant 0 : i32
    %dma_start3A_23 = tpu.memref_slice %arg11[%dma_start3A_17, %dma_start3A_22] : memref<2x128xi32, #tpu.memory_space<vmem>> -> memref<1x128xi32, #tpu.memory_space<vmem>>
    %dma_start3A_24 = tpu.memref_squeeze %dma_start3A_23 : memref<1x128xi32, #tpu.memory_space<vmem>> -> memref<128xi32, #tpu.memory_space<vmem>>
    %dma_start3A_25 = tpu.memref_slice %arg3[%add3A_8] : memref<16384xi32, #tpu.memory_space<hbm>> -> memref<128xi32, #tpu.memory_space<hbm>>
    tpu.enqueue_dma source(%dma_start3A_25 : memref<128xi32, #tpu.memory_space<hbm>>) target(%dma_start3A_24 : memref<128xi32, #tpu.memory_space<vmem>>) target_semaphore(%arg14 : memref<!tpu.dma_semaphore, #tpu.memory_space<semaphore_mem>>)
    %add3A_26 = arith.constant 8192 : i32
    %add3A_27 = arith.addi %add3A_26, %mul3A_2 : i32
    %add3A_28 = arith.constant 128 : i32
    %add3A_29 = arith.addi %add3A_27, %add3A_28 : i32
    %dma_start3A_30 = arith.constant 1 : i32
    %dma_start3A_31 = arith.constant 0 : i32
    %dma_start3A_32 = tpu.memref_slice %arg10[%dma_start3A_30, %dma_start3A_31] : memref<2x128xi32, #tpu.memory_space<vmem>> -> memref<1x128xi32, #tpu.memory_space<vmem>>
    %dma_start3A_33 = tpu.memref_squeeze %dma_start3A_32 : memref<1x128xi32, #tpu.memory_space<vmem>> -> memref<128xi32, #tpu.memory_space<vmem>>
    %dma_start3A_34 = tpu.memref_slice %arg2[%add3A_29] : memref<16384xi32, #tpu.memory_space<hbm>> -> memref<128xi32, #tpu.memory_space<hbm>>
    %dma_start3A_35 = arith.constant 0 : i32
    %dma_start3A_36 = tpu.memref_slice %arg10[%dma_start3A_30, %dma_start3A_35] : memref<2x128xi32, #tpu.memory_space<vmem>> -> memref<1x128xi32, #tpu.memory_space<vmem>>
    %dma_start3A_37 = tpu.memref_squeeze %dma_start3A_36 : memref<1x128xi32, #tpu.memory_space<vmem>> -> memref<128xi32, #tpu.memory_space<vmem>>
    %dma_start3A_38 = tpu.memref_slice %arg2[%add3A_29] : memref<16384xi32, #tpu.memory_space<hbm>> -> memref<128xi32, #tpu.memory_space<hbm>>
    tpu.enqueue_dma source(%dma_start3A_38 : memref<128xi32, #tpu.memory_space<hbm>>) target(%dma_start3A_37 : memref<128xi32, #tpu.memory_space<vmem>>) target_semaphore(%arg14 : memref<!tpu.dma_semaphore, #tpu.memory_space<semaphore_mem>>)
    %dma_start3A_39 = arith.constant 1 : i32
    %dma_start3A_40 = arith.constant 0 : i32
    %dma_start3A_41 = tpu.memref_slice %arg11[%dma_start3A_39, %dma_start3A_40] : memref<2x128xi32, #tpu.memory_space<vmem>> -> memref<1x128xi32, #tpu.memory_space<vmem>>
    %dma_start3A_42 = tpu.memref_squeeze %dma_start3A_41 : memref<1x128xi32, #tpu.memory_space<vmem>> -> memref<128xi32, #tpu.memory_space<vmem>>
    %dma_start3A_43 = tpu.memref_slice %arg3[%add3A_29] : memref<16384xi32, #tpu.memory_space<hbm>> -> memref<128xi32, #tpu.memory_space<hbm>>
    %dma_start3A_44 = arith.constant 0 : i32
    %dma_start3A_45 = tpu.memref_slice %arg11[%dma_start3A_39, %dma_start3A_44] : memref<2x128xi32, #tpu.memory_space<vmem>> -> memref<1x128xi32, #tpu.memory_space<vmem>>
    %dma_start3A_46 = tpu.memref_squeeze %dma_start3A_45 : memref<1x128xi32, #tpu.memory_space<vmem>> -> memref<128xi32, #tpu.memory_space<vmem>>
    %dma_start3A_47 = tpu.memref_slice %arg3[%add3A_29] : memref<16384xi32, #tpu.memory_space<hbm>> -> memref<128xi32, #tpu.memory_space<hbm>>
    tpu.enqueue_dma source(%dma_start3A_47 : memref<128xi32, #tpu.memory_space<hbm>>) target(%dma_start3A_46 : memref<128xi32, #tpu.memory_space<vmem>>) target_semaphore(%arg14 : memref<!tpu.dma_semaphore, #tpu.memory_space<semaphore_mem>>)
    %dma_wait3A = arith.constant 0 : i32
    %dma_wait3A_48 = arith.constant 0 : i32
    %dma_wait3A_49 = tpu.memref_slice %arg10[%dma_wait3A, %dma_wait3A_48] : memref<2x128xi32, #tpu.memory_space<vmem>> -> memref<1x128xi32, #tpu.memory_space<vmem>>
    %dma_wait3A_50 = tpu.memref_squeeze %dma_wait3A_49 : memref<1x128xi32, #tpu.memory_space<vmem>> -> memref<128xi32, #tpu.memory_space<vmem>>
    %dma_wait3A_51 = tpu.memref_slice %arg2[%add3A_8] : memref<16384xi32, #tpu.memory_space<hbm>> -> memref<128xi32, #tpu.memory_space<hbm>>
    %dma_wait3A_52 = arith.constant 0 : i32
    %dma_wait3A_53 = tpu.memref_slice %arg10[%dma_wait3A, %dma_wait3A_52] : memref<2x128xi32, #tpu.memory_space<vmem>> -> memref<1x128xi32, #tpu.memory_space<vmem>>
    %dma_wait3A_54 = tpu.memref_squeeze %dma_wait3A_53 : memref<1x128xi32, #tpu.memory_space<vmem>> -> memref<128xi32, #tpu.memory_space<vmem>>
    %dma_wait3A_55 = tpu.memref_slice %arg2[%add3A_8] : memref<16384xi32, #tpu.memory_space<hbm>> -> memref<128xi32, #tpu.memory_space<hbm>>
    tpu.wait_dma2 semaphore(%arg14 : memref<!tpu.dma_semaphore, #tpu.memory_space<semaphore_mem>>) src(%dma_wait3A_55 : memref<128xi32, #tpu.memory_space<hbm>>) dst(%dma_wait3A_54 : memref<128xi32, #tpu.memory_space<vmem>>)
    %dma_wait3A_56 = arith.constant 0 : i32
    %dma_wait3A_57 = arith.constant 0 : i32
    %dma_wait3A_58 = tpu.memref_slice %arg11[%dma_wait3A_56, %dma_wait3A_57] : memref<2x128xi32, #tpu.memory_space<vmem>> -> memref<1x128xi32, #tpu.memory_space<vmem>>
    %dma_wait3A_59 = tpu.memref_squeeze %dma_wait3A_58 : memref<1x128xi32, #tpu.memory_space<vmem>> -> memref<128xi32, #tpu.memory_space<vmem>>
    %dma_wait3A_60 = tpu.memref_slice %arg3[%add3A_8] : memref<16384xi32, #tpu.memory_space<hbm>> -> memref<128xi32, #tpu.memory_space<hbm>>
    %dma_wait3A_61 = arith.constant 0 : i32
    %dma_wait3A_62 = tpu.memref_slice %arg11[%dma_wait3A_56, %dma_wait3A_61] : memref<2x128xi32, #tpu.memory_space<vmem>> -> memref<1x128xi32, #tpu.memory_space<vmem>>
    %dma_wait3A_63 = tpu.memref_squeeze %dma_wait3A_62 : memref<1x128xi32, #tpu.memory_space<vmem>> -> memref<128xi32, #tpu.memory_space<vmem>>
    %dma_wait3A_64 = tpu.memref_slice %arg3[%add3A_8] : memref<16384xi32, #tpu.memory_space<hbm>> -> memref<128xi32, #tpu.memory_space<hbm>>
    tpu.wait_dma2 semaphore(%arg14 : memref<!tpu.dma_semaphore, #tpu.memory_space<semaphore_mem>>) src(%dma_wait3A_64 : memref<128xi32, #tpu.memory_space<hbm>>) dst(%dma_wait3A_63 : memref<128xi32, #tpu.memory_space<vmem>>)
    %dma_wait3A_65 = arith.constant 1 : i32
    %dma_wait3A_66 = arith.constant 0 : i32
    %dma_wait3A_67 = tpu.memref_slice %arg10[%dma_wait3A_65, %dma_wait3A_66] : memref<2x128xi32, #tpu.memory_space<vmem>> -> memref<1x128xi32, #tpu.memory_space<vmem>>
    %dma_wait3A_68 = tpu.memref_squeeze %dma_wait3A_67 : memref<1x128xi32, #tpu.memory_space<vmem>> -> memref<128xi32, #tpu.memory_space<vmem>>
    %dma_wait3A_69 = tpu.memref_slice %arg2[%add3A_29] : memref<16384xi32, #tpu.memory_space<hbm>> -> memref<128xi32, #tpu.memory_space<hbm>>
    %dma_wait3A_70 = arith.constant 0 : i32
    %dma_wait3A_71 = tpu.memref_slice %arg10[%dma_wait3A_65, %dma_wait3A_70] : memref<2x128xi32, #tpu.memory_space<vmem>> -> memref<1x128xi32, #tpu.memory_space<vmem>>
    %dma_wait3A_72 = tpu.memref_squeeze %dma_wait3A_71 : memref<1x128xi32, #tpu.memory_space<vmem>> -> memref<128xi32, #tpu.memory_space<vmem>>
    %dma_wait3A_73 = tpu.memref_slice %arg2[%add3A_29] : memref<16384xi32, #tpu.memory_space<hbm>> -> memref<128xi32, #tpu.memory_space<hbm>>
    tpu.wait_dma2 semaphore(%arg14 : memref<!tpu.dma_semaphore, #tpu.memory_space<semaphore_mem>>) src(%dma_wait3A_73 : memref<128xi32, #tpu.memory_space<hbm>>) dst(%dma_wait3A_72 : memref<128xi32, #tpu.memory_space<vmem>>)
    %dma_wait3A_74 = arith.constant 1 : i32
    %dma_wait3A_75 = arith.constant 0 : i32
    %dma_wait3A_76 = tpu.memref_slice %arg11[%dma_wait3A_74, %dma_wait3A_75] : memref<2x128xi32, #tpu.memory_space<vmem>> -> memref<1x128xi32, #tpu.memory_space<vmem>>
    %dma_wait3A_77 = tpu.memref_squeeze %dma_wait3A_76 : memref<1x128xi32, #tpu.memory_space<vmem>> -> memref<128xi32, #tpu.memory_space<vmem>>
    %dma_wait3A_78 = tpu.memref_slice %arg3[%add3A_29] : memref<16384xi32, #tpu.memory_space<hbm>> -> memref<128xi32, #tpu.memory_space<hbm>>
    %dma_wait3A_79 = arith.constant 0 : i32
    %dma_wait3A_80 = tpu.memref_slice %arg11[%dma_wait3A_74, %dma_wait3A_79] : memref<2x128xi32, #tpu.memory_space<vmem>> -> memref<1x128xi32, #tpu.memory_space<vmem>>
    %dma_wait3A_81 = tpu.memref_squeeze %dma_wait3A_80 : memref<1x128xi32, #tpu.memory_space<vmem>> -> memref<128xi32, #tpu.memory_space<vmem>>
    %dma_wait3A_82 = tpu.memref_slice %arg3[%add3A_29] : memref<16384xi32, #tpu.memory_space<hbm>> -> memref<128xi32, #tpu.memory_space<hbm>>
    tpu.wait_dma2 semaphore(%arg14 : memref<!tpu.dma_semaphore, #tpu.memory_space<semaphore_mem>>) src(%dma_wait3A_82 : memref<128xi32, #tpu.memory_space<hbm>>) dst(%dma_wait3A_81 : memref<128xi32, #tpu.memory_space<vmem>>)
    %dma_start3A_83 = arith.constant 0 : i32
    %dma_start3A_84 = arith.constant 0 : i32
    %dma_start3A_85 = arith.constant 0 : i32
    %dma_start3A_86 = tpu.memref_slice %arg13[%dma_start3A_84, %dma_start3A_85] : memref<2x128xf32, #tpu.memory_space<vmem>> -> memref<1x128xf32, #tpu.memory_space<vmem>>
    %dma_start3A_87 = tpu.memref_squeeze %dma_start3A_86 : memref<1x128xf32, #tpu.memory_space<vmem>> -> memref<128xf32, #tpu.memory_space<vmem>>
    %dma_start3A_88 = arith.constant 0 : i32
    %dma_start3A_89 = tpu.memref_slice %arg11[%dma_start3A_83, %dma_start3A_88] : memref<2x128xi32, #tpu.memory_space<vmem>> -> memref<1x128xi32, #tpu.memory_space<vmem>>
    %dma_start3A_90 = tpu.memref_squeeze %dma_start3A_89 : memref<1x128xi32, #tpu.memory_space<vmem>> -> memref<128xi32, #tpu.memory_space<vmem>>
    %dma_start3A_91 = arith.constant 0 : i32
    %dma_start3A_92 = tpu.memref_slice %arg6[%dma_start3A_91] : memref<1000000xf32, #tpu.memory_space<hbm>> -> memref<1000000xf32, #tpu.memory_space<hbm>>
    tpu.enqueue_indirect_dma source(%dma_start3A_92 : memref<1000000xf32, #tpu.memory_space<hbm>>) target(%dma_start3A_87 : memref<128xf32, #tpu.memory_space<vmem>>) offsets(%dma_start3A_90 : memref<128xi32, #tpu.memory_space<vmem>>) semaphore(%arg23 : memref<!tpu.dma_semaphore, #tpu.memory_space<semaphore_mem>>)
    %dma_start3A_93 = arith.constant 1 : i32
    %dma_start3A_94 = arith.constant 1 : i32
    %dma_start3A_95 = arith.constant 0 : i32
    %dma_start3A_96 = tpu.memref_slice %arg13[%dma_start3A_94, %dma_start3A_95] : memref<2x128xf32, #tpu.memory_space<vmem>> -> memref<1x128xf32, #tpu.memory_space<vmem>>
    %dma_start3A_97 = tpu.memref_squeeze %dma_start3A_96 : memref<1x128xf32, #tpu.memory_space<vmem>> -> memref<128xf32, #tpu.memory_space<vmem>>
    %dma_start3A_98 = arith.constant 0 : i32
    %dma_start3A_99 = tpu.memref_slice %arg11[%dma_start3A_93, %dma_start3A_98] : memref<2x128xi32, #tpu.memory_space<vmem>> -> memref<1x128xi32, #tpu.memory_space<vmem>>
    %dma_start3A_100 = tpu.memref_squeeze %dma_start3A_99 : memref<1x128xi32, #tpu.memory_space<vmem>> -> memref<128xi32, #tpu.memory_space<vmem>>
    %dma_start3A_101 = arith.constant 0 : i32
    %dma_start3A_102 = tpu.memref_slice %arg6[%dma_start3A_101] : memref<1000000xf32, #tpu.memory_space<hbm>> -> memref<1000000xf32, #tpu.memory_space<hbm>>
    tpu.enqueue_indirect_dma source(%dma_start3A_102 : memref<1000000xf32, #tpu.memory_space<hbm>>) target(%dma_start3A_97 : memref<128xf32, #tpu.memory_space<vmem>>) offsets(%dma_start3A_100 : memref<128xi32, #tpu.memory_space<vmem>>) semaphore(%arg23 : memref<!tpu.dma_semaphore, #tpu.memory_space<semaphore_mem>>)
    %dma_start3A_103 = arith.constant 0 : i32
    %dma_start3A_104 = arith.constant 0 : i32
    %dma_start3A_105 = arith.constant 0 : i32
    %dma_start3A_106 = arith.constant 0 : i32
    %dma_start3A_107 = tpu.memref_slice %arg12[%dma_start3A_104, %dma_start3A_105, %dma_start3A_106] : memref<4x128x128xf32, #tpu.memory_space<vmem>> -> memref<1x128x128xf32, #tpu.memory_space<vmem>>
    %dma_start3A_108 = tpu.memref_squeeze %dma_start3A_107 : memref<1x128x128xf32, #tpu.memory_space<vmem>> -> memref<128x128xf32, #tpu.memory_space<vmem>>
    %dma_start3A_109 = arith.constant 0 : i32
    %dma_start3A_110 = tpu.memref_slice %arg10[%dma_start3A_103, %dma_start3A_109] : memref<2x128xi32, #tpu.memory_space<vmem>> -> memref<1x128xi32, #tpu.memory_space<vmem>>
    %dma_start3A_111 = tpu.memref_squeeze %dma_start3A_110 : memref<1x128xi32, #tpu.memory_space<vmem>> -> memref<128xi32, #tpu.memory_space<vmem>>
    %dma_start3A_112 = arith.constant 0 : i32
    %dma_start3A_113 = arith.constant 0 : i32
    %dma_start3A_114 = tpu.memref_slice %arg4[%dma_start3A_112, %dma_start3A_113] : memref<1000000x128xf32, #tpu.memory_space<hbm>> -> memref<1000000x128xf32, #tpu.memory_space<hbm>>
    tpu.enqueue_indirect_dma source(%dma_start3A_114 : memref<1000000x128xf32, #tpu.memory_space<hbm>>) target(%dma_start3A_108 : memref<128x128xf32, #tpu.memory_space<vmem>>) offsets(%dma_start3A_111 : memref<128xi32, #tpu.memory_space<vmem>>) semaphore(%arg15 : memref<!tpu.dma_semaphore, #tpu.memory_space<semaphore_mem>>)
    %dma_start3A_115 = arith.constant 1 : i32
    %dma_start3A_116 = arith.constant 1 : i32
    %dma_start3A_117 = arith.constant 0 : i32
    %dma_start3A_118 = arith.constant 0 : i32
    %dma_start3A_119 = tpu.memref_slice %arg12[%dma_start3A_116, %dma_start3A_117, %dma_start3A_118] : memref<4x128x128xf32, #tpu.memory_space<vmem>> -> memref<1x128x128xf32, #tpu.memory_space<vmem>>
    %dma_start3A_120 = tpu.memref_squeeze %dma_start3A_119 : memref<1x128x128xf32, #tpu.memory_space<vmem>> -> memref<128x128xf32, #tpu.memory_space<vmem>>
    %dma_start3A_121 = arith.constant 0 : i32
    %dma_start3A_122 = tpu.memref_slice %arg10[%dma_start3A_115, %dma_start3A_121] : memref<2x128xi32, #tpu.memory_space<vmem>> -> memref<1x128xi32, #tpu.memory_space<vmem>>
    %dma_start3A_123 = tpu.memref_squeeze %dma_start3A_122 : memref<1x128xi32, #tpu.memory_space<vmem>> -> memref<128xi32, #tpu.memory_space<vmem>>
    %dma_start3A_124 = arith.constant 0 : i32
    %dma_start3A_125 = arith.constant 0 : i32
    %dma_start3A_126 = tpu.memref_slice %arg4[%dma_start3A_124, %dma_start3A_125] : memref<1000000x128xf32, #tpu.memory_space<hbm>> -> memref<1000000x128xf32, #tpu.memory_space<hbm>>
    tpu.enqueue_indirect_dma source(%dma_start3A_126 : memref<1000000x128xf32, #tpu.memory_space<hbm>>) target(%dma_start3A_120 : memref<128x128xf32, #tpu.memory_space<vmem>>) offsets(%dma_start3A_123 : memref<128xi32, #tpu.memory_space<vmem>>) semaphore(%arg16 : memref<!tpu.dma_semaphore, #tpu.memory_space<semaphore_mem>>)
    %dma_start3A_127 = arith.constant 0 : i32
    %dma_start3A_128 = arith.constant 2 : i32
    %dma_start3A_129 = arith.constant 0 : i32
    %dma_start3A_130 = arith.constant 0 : i32
    %dma_start3A_131 = tpu.memref_slice %arg12[%dma_start3A_128, %dma_start3A_129, %dma_start3A_130] : memref<4x128x128xf32, #tpu.memory_space<vmem>> -> memref<1x128x128xf32, #tpu.memory_space<vmem>>
    %dma_start3A_132 = tpu.memref_squeeze %dma_start3A_131 : memref<1x128x128xf32, #tpu.memory_space<vmem>> -> memref<128x128xf32, #tpu.memory_space<vmem>>
    %dma_start3A_133 = arith.constant 0 : i32
    %dma_start3A_134 = tpu.memref_slice %arg11[%dma_start3A_127, %dma_start3A_133] : memref<2x128xi32, #tpu.memory_space<vmem>> -> memref<1x128xi32, #tpu.memory_space<vmem>>
    %dma_start3A_135 = tpu.memref_squeeze %dma_start3A_134 : memref<1x128xi32, #tpu.memory_space<vmem>> -> memref<128xi32, #tpu.memory_space<vmem>>
    %dma_start3A_136 = arith.constant 0 : i32
    %dma_start3A_137 = arith.constant 0 : i32
    %dma_start3A_138 = tpu.memref_slice %arg5[%dma_start3A_136, %dma_start3A_137] : memref<1000000x128xf32, #tpu.memory_space<hbm>> -> memref<1000000x128xf32, #tpu.memory_space<hbm>>
    tpu.enqueue_indirect_dma source(%dma_start3A_138 : memref<1000000x128xf32, #tpu.memory_space<hbm>>) target(%dma_start3A_132 : memref<128x128xf32, #tpu.memory_space<vmem>>) offsets(%dma_start3A_135 : memref<128xi32, #tpu.memory_space<vmem>>) semaphore(%arg17 : memref<!tpu.dma_semaphore, #tpu.memory_space<semaphore_mem>>)
    %dma_start3A_139 = arith.constant 1 : i32
    %dma_start3A_140 = arith.constant 3 : i32
    %dma_start3A_141 = arith.constant 0 : i32
    %dma_start3A_142 = arith.constant 0 : i32
    %dma_start3A_143 = tpu.memref_slice %arg12[%dma_start3A_140, %dma_start3A_141, %dma_start3A_142] : memref<4x128x128xf32, #tpu.memory_space<vmem>> -> memref<1x128x128xf32, #tpu.memory_space<vmem>>
    %dma_start3A_144 = tpu.memref_squeeze %dma_start3A_143 : memref<1x128x128xf32, #tpu.memory_space<vmem>> -> memref<128x128xf32, #tpu.memory_space<vmem>>
    %dma_start3A_145 = arith.constant 0 : i32
    %dma_start3A_146 = tpu.memref_slice %arg11[%dma_start3A_139, %dma_start3A_145] : memref<2x128xi32, #tpu.memory_space<vmem>> -> memref<1x128xi32, #tpu.memory_space<vmem>>
    %dma_start3A_147 = tpu.memref_squeeze %dma_start3A_146 : memref<1x128xi32, #tpu.memory_space<vmem>> -> memref<128xi32, #tpu.memory_space<vmem>>
    %dma_start3A_148 = arith.constant 0 : i32
    %dma_start3A_149 = arith.constant 0 : i32
    %dma_start3A_150 = tpu.memref_slice %arg5[%dma_start3A_148, %dma_start3A_149] : memref<1000000x128xf32, #tpu.memory_space<hbm>> -> memref<1000000x128xf32, #tpu.memory_space<hbm>>
    tpu.enqueue_indirect_dma source(%dma_start3A_150 : memref<1000000x128xf32, #tpu.memory_space<hbm>>) target(%dma_start3A_144 : memref<128x128xf32, #tpu.memory_space<vmem>>) offsets(%dma_start3A_147 : memref<128xi32, #tpu.memory_space<vmem>>) semaphore(%arg18 : memref<!tpu.dma_semaphore, #tpu.memory_space<semaphore_mem>>)
    %dma_wait3A_151 = arith.constant 0 : i32
    %dma_wait3A_152 = arith.constant 0 : i32
    %dma_wait3A_153 = arith.constant 0 : i32
    %dma_wait3A_154 = arith.constant 0 : i32
    %dma_wait3A_155 = tpu.memref_slice %arg12[%dma_wait3A_152, %dma_wait3A_153, %dma_wait3A_154] : memref<4x128x128xf32, #tpu.memory_space<vmem>> -> memref<1x128x128xf32, #tpu.memory_space<vmem>>
    %dma_wait3A_156 = tpu.memref_squeeze %dma_wait3A_155 : memref<1x128x128xf32, #tpu.memory_space<vmem>> -> memref<128x128xf32, #tpu.memory_space<vmem>>
    %dma_wait3A_157 = arith.constant 0 : i32
    %dma_wait3A_158 = tpu.memref_slice %arg10[%dma_wait3A_151, %dma_wait3A_157] : memref<2x128xi32, #tpu.memory_space<vmem>> -> memref<1x128xi32, #tpu.memory_space<vmem>>
    %dma_wait3A_159 = tpu.memref_squeeze %dma_wait3A_158 : memref<1x128xi32, #tpu.memory_space<vmem>> -> memref<128xi32, #tpu.memory_space<vmem>>
    %dma_wait3A_160 = arith.constant 0 : i32
    %dma_wait3A_161 = arith.constant 0 : i32
    %dma_wait3A_162 = tpu.memref_slice %arg4[%dma_wait3A_160, %dma_wait3A_161] : memref<1000000x128xf32, #tpu.memory_space<hbm>> -> memref<1000000x128xf32, #tpu.memory_space<hbm>>
    tpu.wait_indirect_dma semaphore(%arg15 : memref<!tpu.dma_semaphore, #tpu.memory_space<semaphore_mem>>) src(%dma_wait3A_162 : memref<1000000x128xf32, #tpu.memory_space<hbm>>) dst(%dma_wait3A_156 : memref<128x128xf32, #tpu.memory_space<vmem>>)
    %add3A_163 = arith.constant 0 : i32
    %add3A_164 = arith.addi %mul3A_2, %add3A_163 : i32
    %dma_start3A_165 = arith.constant 0 : i32
    %dma_start3A_166 = arith.constant 0 : i32
    %dma_start3A_167 = arith.constant 0 : i32
    %dma_start3A_168 = tpu.memref_slice %arg12[%dma_start3A_165, %dma_start3A_166, %dma_start3A_167] : memref<4x128x128xf32, #tpu.memory_space<vmem>> -> memref<1x128x128xf32, #tpu.memory_space<vmem>>
    %dma_start3A_169 = tpu.memref_squeeze %dma_start3A_168 : memref<1x128x128xf32, #tpu.memory_space<vmem>> -> memref<128x128xf32, #tpu.memory_space<vmem>>
    %dma_start3A_170 = arith.constant 0 : i32
    %dma_start3A_171 = tpu.memref_slice %arg7[%add3A_164, %dma_start3A_170] : memref<8192x128xf32, #tpu.memory_space<hbm>> -> memref<128x128xf32, #tpu.memory_space<hbm>>
    %dma_start3A_172 = arith.constant 0 : i32
    %dma_start3A_173 = tpu.memref_slice %arg7[%add3A_164, %dma_start3A_172] : memref<8192x128xf32, #tpu.memory_space<hbm>> -> memref<128x128xf32, #tpu.memory_space<hbm>>
    %dma_start3A_174 = arith.constant 0 : i32
    %dma_start3A_175 = arith.constant 0 : i32
    %dma_start3A_176 = tpu.memref_slice %arg12[%dma_start3A_165, %dma_start3A_174, %dma_start3A_175] : memref<4x128x128xf32, #tpu.memory_space<vmem>> -> memref<1x128x128xf32, #tpu.memory_space<vmem>>
    %dma_start3A_177 = tpu.memref_squeeze %dma_start3A_176 : memref<1x128x128xf32, #tpu.memory_space<vmem>> -> memref<128x128xf32, #tpu.memory_space<vmem>>
    tpu.enqueue_dma source(%dma_start3A_177 : memref<128x128xf32, #tpu.memory_space<vmem>>) target(%dma_start3A_173 : memref<128x128xf32, #tpu.memory_space<hbm>>) target_semaphore(%arg19 : memref<!tpu.dma_semaphore, #tpu.memory_space<semaphore_mem>>)
    %dma_wait3A_178 = arith.constant 1 : i32
    %dma_wait3A_179 = arith.constant 1 : i32
    %dma_wait3A_180 = arith.constant 0 : i32
    %dma_wait3A_181 = arith.constant 0 : i32
    %dma_wait3A_182 = tpu.memref_slice %arg12[%dma_wait3A_179, %dma_wait3A_180, %dma_wait3A_181] : memref<4x128x128xf32, #tpu.memory_space<vmem>> -> memref<1x128x128xf32, #tpu.memory_space<vmem>>
    %dma_wait3A_183 = tpu.memref_squeeze %dma_wait3A_182 : memref<1x128x128xf32, #tpu.memory_space<vmem>> -> memref<128x128xf32, #tpu.memory_space<vmem>>
    %dma_wait3A_184 = arith.constant 0 : i32
    %dma_wait3A_185 = tpu.memref_slice %arg10[%dma_wait3A_178, %dma_wait3A_184] : memref<2x128xi32, #tpu.memory_space<vmem>> -> memref<1x128xi32, #tpu.memory_space<vmem>>
    %dma_wait3A_186 = tpu.memref_squeeze %dma_wait3A_185 : memref<1x128xi32, #tpu.memory_space<vmem>> -> memref<128xi32, #tpu.memory_space<vmem>>
    %dma_wait3A_187 = arith.constant 0 : i32
    %dma_wait3A_188 = arith.constant 0 : i32
    %dma_wait3A_189 = tpu.memref_slice %arg4[%dma_wait3A_187, %dma_wait3A_188] : memref<1000000x128xf32, #tpu.memory_space<hbm>> -> memref<1000000x128xf32, #tpu.memory_space<hbm>>
    tpu.wait_indirect_dma semaphore(%arg16 : memref<!tpu.dma_semaphore, #tpu.memory_space<semaphore_mem>>) src(%dma_wait3A_189 : memref<1000000x128xf32, #tpu.memory_space<hbm>>) dst(%dma_wait3A_183 : memref<128x128xf32, #tpu.memory_space<vmem>>)
    %add3A_190 = arith.constant 128 : i32
    %add3A_191 = arith.addi %mul3A_2, %add3A_190 : i32
    %dma_start3A_192 = arith.constant 1 : i32
    %dma_start3A_193 = arith.constant 0 : i32
    %dma_start3A_194 = arith.constant 0 : i32
    %dma_start3A_195 = tpu.memref_slice %arg12[%dma_start3A_192, %dma_start3A_193, %dma_start3A_194] : memref<4x128x128xf32, #tpu.memory_space<vmem>> -> memref<1x128x128xf32, #tpu.memory_space<vmem>>
    %dma_start3A_196 = tpu.memref_squeeze %dma_start3A_195 : memref<1x128x128xf32, #tpu.memory_space<vmem>> -> memref<128x128xf32, #tpu.memory_space<vmem>>
    %dma_start3A_197 = arith.constant 0 : i32
    %dma_start3A_198 = tpu.memref_slice %arg7[%add3A_191, %dma_start3A_197] : memref<8192x128xf32, #tpu.memory_space<hbm>> -> memref<128x128xf32, #tpu.memory_space<hbm>>
    %dma_start3A_199 = arith.constant 0 : i32
    %dma_start3A_200 = tpu.memref_slice %arg7[%add3A_191, %dma_start3A_199] : memref<8192x128xf32, #tpu.memory_space<hbm>> -> memref<128x128xf32, #tpu.memory_space<hbm>>
    %dma_start3A_201 = arith.constant 0 : i32
    %dma_start3A_202 = arith.constant 0 : i32
    %dma_start3A_203 = tpu.memref_slice %arg12[%dma_start3A_192, %dma_start3A_201, %dma_start3A_202] : memref<4x128x128xf32, #tpu.memory_space<vmem>> -> memref<1x128x128xf32, #tpu.memory_space<vmem>>
    %dma_start3A_204 = tpu.memref_squeeze %dma_start3A_203 : memref<1x128x128xf32, #tpu.memory_space<vmem>> -> memref<128x128xf32, #tpu.memory_space<vmem>>
    tpu.enqueue_dma source(%dma_start3A_204 : memref<128x128xf32, #tpu.memory_space<vmem>>) target(%dma_start3A_200 : memref<128x128xf32, #tpu.memory_space<hbm>>) target_semaphore(%arg20 : memref<!tpu.dma_semaphore, #tpu.memory_space<semaphore_mem>>)
    %dma_wait3A_205 = arith.constant 0 : i32
    %dma_wait3A_206 = arith.constant 2 : i32
    %dma_wait3A_207 = arith.constant 0 : i32
    %dma_wait3A_208 = arith.constant 0 : i32
    %dma_wait3A_209 = tpu.memref_slice %arg12[%dma_wait3A_206, %dma_wait3A_207, %dma_wait3A_208] : memref<4x128x128xf32, #tpu.memory_space<vmem>> -> memref<1x128x128xf32, #tpu.memory_space<vmem>>
    %dma_wait3A_210 = tpu.memref_squeeze %dma_wait3A_209 : memref<1x128x128xf32, #tpu.memory_space<vmem>> -> memref<128x128xf32, #tpu.memory_space<vmem>>
    %dma_wait3A_211 = arith.constant 0 : i32
    %dma_wait3A_212 = tpu.memref_slice %arg11[%dma_wait3A_205, %dma_wait3A_211] : memref<2x128xi32, #tpu.memory_space<vmem>> -> memref<1x128xi32, #tpu.memory_space<vmem>>
    %dma_wait3A_213 = tpu.memref_squeeze %dma_wait3A_212 : memref<1x128xi32, #tpu.memory_space<vmem>> -> memref<128xi32, #tpu.memory_space<vmem>>
    %dma_wait3A_214 = arith.constant 0 : i32
    %dma_wait3A_215 = arith.constant 0 : i32
    %dma_wait3A_216 = tpu.memref_slice %arg5[%dma_wait3A_214, %dma_wait3A_215] : memref<1000000x128xf32, #tpu.memory_space<hbm>> -> memref<1000000x128xf32, #tpu.memory_space<hbm>>
    tpu.wait_indirect_dma semaphore(%arg17 : memref<!tpu.dma_semaphore, #tpu.memory_space<semaphore_mem>>) src(%dma_wait3A_216 : memref<1000000x128xf32, #tpu.memory_space<hbm>>) dst(%dma_wait3A_210 : memref<128x128xf32, #tpu.memory_space<vmem>>)
    %add3A_217 = arith.constant 0 : i32
    %add3A_218 = arith.addi %mul3A_2, %add3A_217 : i32
    %dma_start3A_219 = arith.constant 2 : i32
    %dma_start3A_220 = arith.constant 0 : i32
    %dma_start3A_221 = arith.constant 0 : i32
    %dma_start3A_222 = tpu.memref_slice %arg12[%dma_start3A_219, %dma_start3A_220, %dma_start3A_221] : memref<4x128x128xf32, #tpu.memory_space<vmem>> -> memref<1x128x128xf32, #tpu.memory_space<vmem>>
    %dma_start3A_223 = tpu.memref_squeeze %dma_start3A_222 : memref<1x128x128xf32, #tpu.memory_space<vmem>> -> memref<128x128xf32, #tpu.memory_space<vmem>>
    %dma_start3A_224 = arith.constant 0 : i32
    %dma_start3A_225 = tpu.memref_slice %arg8[%add3A_218, %dma_start3A_224] : memref<8192x128xf32, #tpu.memory_space<hbm>> -> memref<128x128xf32, #tpu.memory_space<hbm>>
    %dma_start3A_226 = arith.constant 0 : i32
    %dma_start3A_227 = tpu.memref_slice %arg8[%add3A_218, %dma_start3A_226] : memref<8192x128xf32, #tpu.memory_space<hbm>> -> memref<128x128xf32, #tpu.memory_space<hbm>>
    %dma_start3A_228 = arith.constant 0 : i32
    %dma_start3A_229 = arith.constant 0 : i32
    %dma_start3A_230 = tpu.memref_slice %arg12[%dma_start3A_219, %dma_start3A_228, %dma_start3A_229] : memref<4x128x128xf32, #tpu.memory_space<vmem>> -> memref<1x128x128xf32, #tpu.memory_space<vmem>>
    %dma_start3A_231 = tpu.memref_squeeze %dma_start3A_230 : memref<1x128x128xf32, #tpu.memory_space<vmem>> -> memref<128x128xf32, #tpu.memory_space<vmem>>
    tpu.enqueue_dma source(%dma_start3A_231 : memref<128x128xf32, #tpu.memory_space<vmem>>) target(%dma_start3A_227 : memref<128x128xf32, #tpu.memory_space<hbm>>) target_semaphore(%arg21 : memref<!tpu.dma_semaphore, #tpu.memory_space<semaphore_mem>>)
    %dma_wait3A_232 = arith.constant 1 : i32
    %dma_wait3A_233 = arith.constant 3 : i32
    %dma_wait3A_234 = arith.constant 0 : i32
    %dma_wait3A_235 = arith.constant 0 : i32
    %dma_wait3A_236 = tpu.memref_slice %arg12[%dma_wait3A_233, %dma_wait3A_234, %dma_wait3A_235] : memref<4x128x128xf32, #tpu.memory_space<vmem>> -> memref<1x128x128xf32, #tpu.memory_space<vmem>>
    %dma_wait3A_237 = tpu.memref_squeeze %dma_wait3A_236 : memref<1x128x128xf32, #tpu.memory_space<vmem>> -> memref<128x128xf32, #tpu.memory_space<vmem>>
    %dma_wait3A_238 = arith.constant 0 : i32
    %dma_wait3A_239 = tpu.memref_slice %arg11[%dma_wait3A_232, %dma_wait3A_238] : memref<2x128xi32, #tpu.memory_space<vmem>> -> memref<1x128xi32, #tpu.memory_space<vmem>>
    %dma_wait3A_240 = tpu.memref_squeeze %dma_wait3A_239 : memref<1x128xi32, #tpu.memory_space<vmem>> -> memref<128xi32, #tpu.memory_space<vmem>>
    %dma_wait3A_241 = arith.constant 0 : i32
    %dma_wait3A_242 = arith.constant 0 : i32
    %dma_wait3A_243 = tpu.memref_slice %arg5[%dma_wait3A_241, %dma_wait3A_242] : memref<1000000x128xf32, #tpu.memory_space<hbm>> -> memref<1000000x128xf32, #tpu.memory_space<hbm>>
    tpu.wait_indirect_dma semaphore(%arg18 : memref<!tpu.dma_semaphore, #tpu.memory_space<semaphore_mem>>) src(%dma_wait3A_243 : memref<1000000x128xf32, #tpu.memory_space<hbm>>) dst(%dma_wait3A_237 : memref<128x128xf32, #tpu.memory_space<vmem>>)
    %add3A_244 = arith.constant 128 : i32
    %add3A_245 = arith.addi %mul3A_2, %add3A_244 : i32
    %dma_start3A_246 = arith.constant 3 : i32
    %dma_start3A_247 = arith.constant 0 : i32
    %dma_start3A_248 = arith.constant 0 : i32
    %dma_start3A_249 = tpu.memref_slice %arg12[%dma_start3A_246, %dma_start3A_247, %dma_start3A_248] : memref<4x128x128xf32, #tpu.memory_space<vmem>> -> memref<1x128x128xf32, #tpu.memory_space<vmem>>
    %dma_start3A_250 = tpu.memref_squeeze %dma_start3A_249 : memref<1x128x128xf32, #tpu.memory_space<vmem>> -> memref<128x128xf32, #tpu.memory_space<vmem>>
    %dma_start3A_251 = arith.constant 0 : i32
    %dma_start3A_252 = tpu.memref_slice %arg8[%add3A_245, %dma_start3A_251] : memref<8192x128xf32, #tpu.memory_space<hbm>> -> memref<128x128xf32, #tpu.memory_space<hbm>>
    %dma_start3A_253 = arith.constant 0 : i32
    %dma_start3A_254 = tpu.memref_slice %arg8[%add3A_245, %dma_start3A_253] : memref<8192x128xf32, #tpu.memory_space<hbm>> -> memref<128x128xf32, #tpu.memory_space<hbm>>
    %dma_start3A_255 = arith.constant 0 : i32
    %dma_start3A_256 = arith.constant 0 : i32
    %dma_start3A_257 = tpu.memref_slice %arg12[%dma_start3A_246, %dma_start3A_255, %dma_start3A_256] : memref<4x128x128xf32, #tpu.memory_space<vmem>> -> memref<1x128x128xf32, #tpu.memory_space<vmem>>
    %dma_start3A_258 = tpu.memref_squeeze %dma_start3A_257 : memref<1x128x128xf32, #tpu.memory_space<vmem>> -> memref<128x128xf32, #tpu.memory_space<vmem>>
    tpu.enqueue_dma source(%dma_start3A_258 : memref<128x128xf32, #tpu.memory_space<vmem>>) target(%dma_start3A_254 : memref<128x128xf32, #tpu.memory_space<hbm>>) target_semaphore(%arg22 : memref<!tpu.dma_semaphore, #tpu.memory_space<semaphore_mem>>)
    %dma_wait3A_259 = arith.constant 0 : i32
    %dma_wait3A_260 = arith.constant 0 : i32
    %dma_wait3A_261 = arith.constant 0 : i32
    %dma_wait3A_262 = tpu.memref_slice %arg12[%dma_wait3A_259, %dma_wait3A_260, %dma_wait3A_261] : memref<4x128x128xf32, #tpu.memory_space<vmem>> -> memref<1x128x128xf32, #tpu.memory_space<vmem>>
    %dma_wait3A_263 = tpu.memref_squeeze %dma_wait3A_262 : memref<1x128x128xf32, #tpu.memory_space<vmem>> -> memref<128x128xf32, #tpu.memory_space<vmem>>
    %dma_wait3A_264 = arith.constant 0 : i32
    %dma_wait3A_265 = tpu.memref_slice %arg7[%add3A_164, %dma_wait3A_264] : memref<8192x128xf32, #tpu.memory_space<hbm>> -> memref<128x128xf32, #tpu.memory_space<hbm>>
    %dma_wait3A_266 = arith.constant 0 : i32
    %dma_wait3A_267 = tpu.memref_slice %arg7[%add3A_164, %dma_wait3A_266] : memref<8192x128xf32, #tpu.memory_space<hbm>> -> memref<128x128xf32, #tpu.memory_space<hbm>>
    %dma_wait3A_268 = arith.constant 0 : i32
    %dma_wait3A_269 = arith.constant 0 : i32
    %dma_wait3A_270 = tpu.memref_slice %arg12[%dma_wait3A_259, %dma_wait3A_268, %dma_wait3A_269] : memref<4x128x128xf32, #tpu.memory_space<vmem>> -> memref<1x128x128xf32, #tpu.memory_space<vmem>>
    %dma_wait3A_271 = tpu.memref_squeeze %dma_wait3A_270 : memref<1x128x128xf32, #tpu.memory_space<vmem>> -> memref<128x128xf32, #tpu.memory_space<vmem>>
    tpu.wait_dma2 semaphore(%arg19 : memref<!tpu.dma_semaphore, #tpu.memory_space<semaphore_mem>>) src(%dma_wait3A_271 : memref<128x128xf32, #tpu.memory_space<vmem>>) dst(%dma_wait3A_267 : memref<128x128xf32, #tpu.memory_space<hbm>>)
    %dma_wait3A_272 = arith.constant 1 : i32
    %dma_wait3A_273 = arith.constant 0 : i32
    %dma_wait3A_274 = arith.constant 0 : i32
    %dma_wait3A_275 = tpu.memref_slice %arg12[%dma_wait3A_272, %dma_wait3A_273, %dma_wait3A_274] : memref<4x128x128xf32, #tpu.memory_space<vmem>> -> memref<1x128x128xf32, #tpu.memory_space<vmem>>
    %dma_wait3A_276 = tpu.memref_squeeze %dma_wait3A_275 : memref<1x128x128xf32, #tpu.memory_space<vmem>> -> memref<128x128xf32, #tpu.memory_space<vmem>>
    %dma_wait3A_277 = arith.constant 0 : i32
    %dma_wait3A_278 = tpu.memref_slice %arg7[%add3A_191, %dma_wait3A_277] : memref<8192x128xf32, #tpu.memory_space<hbm>> -> memref<128x128xf32, #tpu.memory_space<hbm>>
    %dma_wait3A_279 = arith.constant 0 : i32
    %dma_wait3A_280 = tpu.memref_slice %arg7[%add3A_191, %dma_wait3A_279] : memref<8192x128xf32, #tpu.memory_space<hbm>> -> memref<128x128xf32, #tpu.memory_space<hbm>>
    %dma_wait3A_281 = arith.constant 0 : i32
    %dma_wait3A_282 = arith.constant 0 : i32
    %dma_wait3A_283 = tpu.memref_slice %arg12[%dma_wait3A_272, %dma_wait3A_281, %dma_wait3A_282] : memref<4x128x128xf32, #tpu.memory_space<vmem>> -> memref<1x128x128xf32, #tpu.memory_space<vmem>>
    %dma_wait3A_284 = tpu.memref_squeeze %dma_wait3A_283 : memref<1x128x128xf32, #tpu.memory_space<vmem>> -> memref<128x128xf32, #tpu.memory_space<vmem>>
    tpu.wait_dma2 semaphore(%arg20 : memref<!tpu.dma_semaphore, #tpu.memory_space<semaphore_mem>>) src(%dma_wait3A_284 : memref<128x128xf32, #tpu.memory_space<vmem>>) dst(%dma_wait3A_280 : memref<128x128xf32, #tpu.memory_space<hbm>>)
    %dma_wait3A_285 = arith.constant 2 : i32
    %dma_wait3A_286 = arith.constant 0 : i32
    %dma_wait3A_287 = arith.constant 0 : i32
    %dma_wait3A_288 = tpu.memref_slice %arg12[%dma_wait3A_285, %dma_wait3A_286, %dma_wait3A_287] : memref<4x128x128xf32, #tpu.memory_space<vmem>> -> memref<1x128x128xf32, #tpu.memory_space<vmem>>
    %dma_wait3A_289 = tpu.memref_squeeze %dma_wait3A_288 : memref<1x128x128xf32, #tpu.memory_space<vmem>> -> memref<128x128xf32, #tpu.memory_space<vmem>>
    %dma_wait3A_290 = arith.constant 0 : i32
    %dma_wait3A_291 = tpu.memref_slice %arg8[%add3A_218, %dma_wait3A_290] : memref<8192x128xf32, #tpu.memory_space<hbm>> -> memref<128x128xf32, #tpu.memory_space<hbm>>
    %dma_wait3A_292 = arith.constant 0 : i32
    %dma_wait3A_293 = tpu.memref_slice %arg8[%add3A_218, %dma_wait3A_292] : memref<8192x128xf32, #tpu.memory_space<hbm>> -> memref<128x128xf32, #tpu.memory_space<hbm>>
    %dma_wait3A_294 = arith.constant 0 : i32
    %dma_wait3A_295 = arith.constant 0 : i32
    %dma_wait3A_296 = tpu.memref_slice %arg12[%dma_wait3A_285, %dma_wait3A_294, %dma_wait3A_295] : memref<4x128x128xf32, #tpu.memory_space<vmem>> -> memref<1x128x128xf32, #tpu.memory_space<vmem>>
    %dma_wait3A_297 = tpu.memref_squeeze %dma_wait3A_296 : memref<1x128x128xf32, #tpu.memory_space<vmem>> -> memref<128x128xf32, #tpu.memory_space<vmem>>
    tpu.wait_dma2 semaphore(%arg21 : memref<!tpu.dma_semaphore, #tpu.memory_space<semaphore_mem>>) src(%dma_wait3A_297 : memref<128x128xf32, #tpu.memory_space<vmem>>) dst(%dma_wait3A_293 : memref<128x128xf32, #tpu.memory_space<hbm>>)
    %dma_wait3A_298 = arith.constant 3 : i32
    %dma_wait3A_299 = arith.constant 0 : i32
    %dma_wait3A_300 = arith.constant 0 : i32
    %dma_wait3A_301 = tpu.memref_slice %arg12[%dma_wait3A_298, %dma_wait3A_299, %dma_wait3A_300] : memref<4x128x128xf32, #tpu.memory_space<vmem>> -> memref<1x128x128xf32, #tpu.memory_space<vmem>>
    %dma_wait3A_302 = tpu.memref_squeeze %dma_wait3A_301 : memref<1x128x128xf32, #tpu.memory_space<vmem>> -> memref<128x128xf32, #tpu.memory_space<vmem>>
    %dma_wait3A_303 = arith.constant 0 : i32
    %dma_wait3A_304 = tpu.memref_slice %arg8[%add3A_245, %dma_wait3A_303] : memref<8192x128xf32, #tpu.memory_space<hbm>> -> memref<128x128xf32, #tpu.memory_space<hbm>>
    %dma_wait3A_305 = arith.constant 0 : i32
    %dma_wait3A_306 = tpu.memref_slice %arg8[%add3A_245, %dma_wait3A_305] : memref<8192x128xf32, #tpu.memory_space<hbm>> -> memref<128x128xf32, #tpu.memory_space<hbm>>
    %dma_wait3A_307 = arith.constant 0 : i32
    %dma_wait3A_308 = arith.constant 0 : i32
    %dma_wait3A_309 = tpu.memref_slice %arg12[%dma_wait3A_298, %dma_wait3A_307, %dma_wait3A_308] : memref<4x128x128xf32, #tpu.memory_space<vmem>> -> memref<1x128x128xf32, #tpu.memory_space<vmem>>
    %dma_wait3A_310 = tpu.memref_squeeze %dma_wait3A_309 : memref<1x128x128xf32, #tpu.memory_space<vmem>> -> memref<128x128xf32, #tpu.memory_space<vmem>>
    tpu.wait_dma2 semaphore(%arg22 : memref<!tpu.dma_semaphore, #tpu.memory_space<semaphore_mem>>) src(%dma_wait3A_310 : memref<128x128xf32, #tpu.memory_space<vmem>>) dst(%dma_wait3A_306 : memref<128x128xf32, #tpu.memory_space<hbm>>)
    %dma_wait3A_311 = arith.constant 0 : i32
    %dma_wait3A_312 = arith.constant 0 : i32
    %dma_wait3A_313 = arith.constant 0 : i32
    %dma_wait3A_314 = tpu.memref_slice %arg13[%dma_wait3A_312, %dma_wait3A_313] : memref<2x128xf32, #tpu.memory_space<vmem>> -> memref<1x128xf32, #tpu.memory_space<vmem>>
    %dma_wait3A_315 = tpu.memref_squeeze %dma_wait3A_314 : memref<1x128xf32, #tpu.memory_space<vmem>> -> memref<128xf32, #tpu.memory_space<vmem>>
    %dma_wait3A_316 = arith.constant 0 : i32
    %dma_wait3A_317 = tpu.memref_slice %arg11[%dma_wait3A_311, %dma_wait3A_316] : memref<2x128xi32, #tpu.memory_space<vmem>> -> memref<1x128xi32, #tpu.memory_space<vmem>>
    %dma_wait3A_318 = tpu.memref_squeeze %dma_wait3A_317 : memref<1x128xi32, #tpu.memory_space<vmem>> -> memref<128xi32, #tpu.memory_space<vmem>>
    %dma_wait3A_319 = arith.constant 0 : i32
    %dma_wait3A_320 = tpu.memref_slice %arg6[%dma_wait3A_319] : memref<1000000xf32, #tpu.memory_space<hbm>> -> memref<1000000xf32, #tpu.memory_space<hbm>>
    tpu.wait_indirect_dma semaphore(%arg23 : memref<!tpu.dma_semaphore, #tpu.memory_space<semaphore_mem>>) src(%dma_wait3A_320 : memref<1000000xf32, #tpu.memory_space<hbm>>) dst(%dma_wait3A_315 : memref<128xf32, #tpu.memory_space<vmem>>)
    %dma_wait3A_321 = arith.constant 1 : i32
    %dma_wait3A_322 = arith.constant 1 : i32
    %dma_wait3A_323 = arith.constant 0 : i32
    %dma_wait3A_324 = tpu.memref_slice %arg13[%dma_wait3A_322, %dma_wait3A_323] : memref<2x128xf32, #tpu.memory_space<vmem>> -> memref<1x128xf32, #tpu.memory_space<vmem>>
    %dma_wait3A_325 = tpu.memref_squeeze %dma_wait3A_324 : memref<1x128xf32, #tpu.memory_space<vmem>> -> memref<128xf32, #tpu.memory_space<vmem>>
    %dma_wait3A_326 = arith.constant 0 : i32
    %dma_wait3A_327 = tpu.memref_slice %arg11[%dma_wait3A_321, %dma_wait3A_326] : memref<2x128xi32, #tpu.memory_space<vmem>> -> memref<1x128xi32, #tpu.memory_space<vmem>>
    %dma_wait3A_328 = tpu.memref_squeeze %dma_wait3A_327 : memref<1x128xi32, #tpu.memory_space<vmem>> -> memref<128xi32, #tpu.memory_space<vmem>>
    %dma_wait3A_329 = arith.constant 0 : i32
    %dma_wait3A_330 = tpu.memref_slice %arg6[%dma_wait3A_329] : memref<1000000xf32, #tpu.memory_space<hbm>> -> memref<1000000xf32, #tpu.memory_space<hbm>>
    tpu.wait_indirect_dma semaphore(%arg23 : memref<!tpu.dma_semaphore, #tpu.memory_space<semaphore_mem>>) src(%dma_wait3A_330 : memref<1000000xf32, #tpu.memory_space<hbm>>) dst(%dma_wait3A_325 : memref<128xf32, #tpu.memory_space<vmem>>)
    %add3A_331 = arith.constant 0 : i32
    %add3A_332 = arith.addi %mul3A_2, %add3A_331 : i32
    %run_scoped3A = arith.constant 0 : i32
    "tpu.region"() ({
      %run_scoped3A_336 = tpu.sem_alloc : memref<!tpu.dma_semaphore, #tpu.memory_space<semaphore_mem>>
      %dma_start3A_337 = arith.constant 0 : i32
      %dma_start3A_338 = tpu.memref_slice %arg13[%run_scoped3A, %dma_start3A_337] : memref<2x128xf32, #tpu.memory_space<vmem>> -> memref<1x128xf32, #tpu.memory_space<vmem>>
      %dma_start3A_339 = tpu.memref_squeeze %dma_start3A_338 : memref<1x128xf32, #tpu.memory_space<vmem>> -> memref<128xf32, #tpu.memory_space<vmem>>
      %dma_start3A_340 = tpu.memref_slice %arg9[%add3A_332] : memref<8192xf32, #tpu.memory_space<hbm>> -> memref<128xf32, #tpu.memory_space<hbm>>
      %dma_start3A_341 = tpu.memref_slice %arg9[%add3A_332] : memref<8192xf32, #tpu.memory_space<hbm>> -> memref<128xf32, #tpu.memory_space<hbm>>
      %dma_start3A_342 = arith.constant 0 : i32
      %dma_start3A_343 = tpu.memref_slice %arg13[%run_scoped3A, %dma_start3A_342] : memref<2x128xf32, #tpu.memory_space<vmem>> -> memref<1x128xf32, #tpu.memory_space<vmem>>
      %dma_start3A_344 = tpu.memref_squeeze %dma_start3A_343 : memref<1x128xf32, #tpu.memory_space<vmem>> -> memref<128xf32, #tpu.memory_space<vmem>>
      tpu.enqueue_dma source(%dma_start3A_344 : memref<128xf32, #tpu.memory_space<vmem>>) target(%dma_start3A_341 : memref<128xf32, #tpu.memory_space<hbm>>) target_semaphore(%run_scoped3A_336 : memref<!tpu.dma_semaphore, #tpu.memory_space<semaphore_mem>>)
      %dma_wait3A_345 = arith.constant 0 : i32
      %dma_wait3A_346 = tpu.memref_slice %arg13[%run_scoped3A, %dma_wait3A_345] : memref<2x128xf32, #tpu.memory_space<vmem>> -> memref<1x128xf32, #tpu.memory_space<vmem>>
      %dma_wait3A_347 = tpu.memref_squeeze %dma_wait3A_346 : memref<1x128xf32, #tpu.memory_space<vmem>> -> memref<128xf32, #tpu.memory_space<vmem>>
      %dma_wait3A_348 = tpu.memref_slice %arg9[%add3A_332] : memref<8192xf32, #tpu.memory_space<hbm>> -> memref<128xf32, #tpu.memory_space<hbm>>
      %dma_wait3A_349 = tpu.memref_slice %arg9[%add3A_332] : memref<8192xf32, #tpu.memory_space<hbm>> -> memref<128xf32, #tpu.memory_space<hbm>>
      %dma_wait3A_350 = arith.constant 0 : i32
      %dma_wait3A_351 = tpu.memref_slice %arg13[%run_scoped3A, %dma_wait3A_350] : memref<2x128xf32, #tpu.memory_space<vmem>> -> memref<1x128xf32, #tpu.memory_space<vmem>>
      %dma_wait3A_352 = tpu.memref_squeeze %dma_wait3A_351 : memref<1x128xf32, #tpu.memory_space<vmem>> -> memref<128xf32, #tpu.memory_space<vmem>>
      tpu.wait_dma2 semaphore(%run_scoped3A_336 : memref<!tpu.dma_semaphore, #tpu.memory_space<semaphore_mem>>) src(%dma_wait3A_352 : memref<128xf32, #tpu.memory_space<vmem>>) dst(%dma_wait3A_349 : memref<128xf32, #tpu.memory_space<hbm>>)
      tpu.yield
    }) : () -> ()
    %add3A_333 = arith.constant 128 : i32
    %add3A_334 = arith.addi %mul3A_2, %add3A_333 : i32
    %run_scoped3A_335 = arith.constant 1 : i32
    "tpu.region"() ({
      %run_scoped3A_336 = tpu.sem_alloc : memref<!tpu.dma_semaphore, #tpu.memory_space<semaphore_mem>>
      %dma_start3A_337 = arith.constant 0 : i32
      %dma_start3A_338 = tpu.memref_slice %arg13[%run_scoped3A_335, %dma_start3A_337] : memref<2x128xf32, #tpu.memory_space<vmem>> -> memref<1x128xf32, #tpu.memory_space<vmem>>
      %dma_start3A_339 = tpu.memref_squeeze %dma_start3A_338 : memref<1x128xf32, #tpu.memory_space<vmem>> -> memref<128xf32, #tpu.memory_space<vmem>>
      %dma_start3A_340 = tpu.memref_slice %arg9[%add3A_334] : memref<8192xf32, #tpu.memory_space<hbm>> -> memref<128xf32, #tpu.memory_space<hbm>>
      %dma_start3A_341 = tpu.memref_slice %arg9[%add3A_334] : memref<8192xf32, #tpu.memory_space<hbm>> -> memref<128xf32, #tpu.memory_space<hbm>>
      %dma_start3A_342 = arith.constant 0 : i32
      %dma_start3A_343 = tpu.memref_slice %arg13[%run_scoped3A_335, %dma_start3A_342] : memref<2x128xf32, #tpu.memory_space<vmem>> -> memref<1x128xf32, #tpu.memory_space<vmem>>
      %dma_start3A_344 = tpu.memref_squeeze %dma_start3A_343 : memref<1x128xf32, #tpu.memory_space<vmem>> -> memref<128xf32, #tpu.memory_space<vmem>>
      tpu.enqueue_dma source(%dma_start3A_344 : memref<128xf32, #tpu.memory_space<vmem>>) target(%dma_start3A_341 : memref<128xf32, #tpu.memory_space<hbm>>) target_semaphore(%run_scoped3A_336 : memref<!tpu.dma_semaphore, #tpu.memory_space<semaphore_mem>>)
      %dma_wait3A_345 = arith.constant 0 : i32
      %dma_wait3A_346 = tpu.memref_slice %arg13[%run_scoped3A_335, %dma_wait3A_345] : memref<2x128xf32, #tpu.memory_space<vmem>> -> memref<1x128xf32, #tpu.memory_space<vmem>>
      %dma_wait3A_347 = tpu.memref_squeeze %dma_wait3A_346 : memref<1x128xf32, #tpu.memory_space<vmem>> -> memref<128xf32, #tpu.memory_space<vmem>>
      %dma_wait3A_348 = tpu.memref_slice %arg9[%add3A_334] : memref<8192xf32, #tpu.memory_space<hbm>> -> memref<128xf32, #tpu.memory_space<hbm>>
      %dma_wait3A_349 = tpu.memref_slice %arg9[%add3A_334] : memref<8192xf32, #tpu.memory_space<hbm>> -> memref<128xf32, #tpu.memory_space<hbm>>
      %dma_wait3A_350 = arith.constant 0 : i32
      %dma_wait3A_351 = tpu.memref_slice %arg13[%run_scoped3A_335, %dma_wait3A_350] : memref<2x128xf32, #tpu.memory_space<vmem>> -> memref<1x128xf32, #tpu.memory_space<vmem>>
      %dma_wait3A_352 = tpu.memref_squeeze %dma_wait3A_351 : memref<1x128xf32, #tpu.memory_space<vmem>> -> memref<128xf32, #tpu.memory_space<vmem>>
      tpu.wait_dma2 semaphore(%run_scoped3A_336 : memref<!tpu.dma_semaphore, #tpu.memory_space<semaphore_mem>>) src(%dma_wait3A_352 : memref<128xf32, #tpu.memory_space<vmem>>) dst(%dma_wait3A_349 : memref<128xf32, #tpu.memory_space<hbm>>)
      tpu.yield
    }) : () -> ()
    return
  }
}

module attributes {stable_mosaic.version = 14 : i64} {
  func.func @_tc_loss_body(%arg0: i32, %arg1: memref<1024x128xf32, #tpu.memory_space<vmem>>, %arg2: memref<1024x128xf32, #tpu.memory_space<vmem>>, %arg3: memref<8x128xf32, #tpu.memory_space<vmem>>, %arg4: memref<1024x128xf32, #tpu.memory_space<vmem>>, %arg5: memref<1x1024xf32, #tpu.memory_space<vmem>>, %arg6: memref<1x1xf32, #tpu.memory_space<vmem>>) attributes {dimension_semantics = [#tpu.dimension_semantics<arbitrary>], iteration_bounds = array<i64: 8>, scalar_prefetch = 0 : i64, scratch_operands = 0 : i64, tpu.core_type = #tpu.core_type<tc>, window_params = [{transform_indices = @transform_0, window_bounds = array<i64: 1024, 128>}, {transform_indices = @transform_1, window_bounds = array<i64: 1024, 128>}, {transform_indices = @transform_2, window_bounds = array<i64: 8, 128>}, {pipeline_mode = #tpu.pipeline_mode<synchronous>, transform_indices = @transform_3, window_bounds = array<i64: 1024, 128>}, {pipeline_mode = #tpu.pipeline_mode<synchronous>, transform_indices = @transform_4, window_bounds = array<i64: 1, 1024>}, {pipeline_mode = #tpu.pipeline_mode<synchronous>, transform_indices = @transform_5, window_bounds = array<i64: 1, 1>}]} {
    %get3A = arith.constant 0 : index
    %get3A_0 = arith.constant 0 : index
    %get3A_1 = vector.load %arg1[%get3A, %get3A_0] : memref<1024x128xf32, #tpu.memory_space<vmem>>, vector<1024x128xf32>
    %get3A_2 = arith.constant 0 : index
    %get3A_3 = arith.constant 0 : index
    %get3A_4 = vector.load %arg2[%get3A_2, %get3A_3] : memref<1024x128xf32, #tpu.memory_space<vmem>>, vector<1024x128xf32>
    %mul3A = arith.mulf %get3A_1, %get3A_4 : vector<1024x128xf32>
    %reshape3A = vector.shape_cast %mul3A : vector<1024x128xf32> to vector<8x128x128xf32>
    %reduce_sum3A = arith.constant dense<0.000000e+00> : vector<8x128xf32>
    %reduce_sum3A_5 = vector.multi_reduction <add>, %reshape3A, %reduce_sum3A [2] : vector<8x128x128xf32> to vector<8x128xf32>
    %get3A_6 = arith.constant 0 : index
    %get3A_7 = arith.constant 0 : index
    %get3A_8 = vector.load %arg3[%get3A_6, %get3A_7] : memref<8x128xf32, #tpu.memory_space<vmem>>, vector<8x128xf32>
    %add3A = arith.addf %reduce_sum3A_5, %get3A_8 : vector<8x128xf32>
    %mul3A_9 = arith.constant 1.44269502 : f32
    %mul3A_10 = vector.broadcast %mul3A_9 : f32 to vector<1024x128xf32>
    %mul3A_11 = arith.mulf %get3A_1, %mul3A_10 : vector<1024x128xf32>
    %convert_element_type3A = arith.truncf %mul3A_11 : vector<1024x128xf32> to vector<1024x128xbf16>
    %get3A_12 = arith.constant 0 : index
    %get3A_13 = arith.constant 0 : index
    %get3A_14 = vector.load %arg4[%get3A_12, %get3A_13] : memref<1024x128xf32, #tpu.memory_space<vmem>>, vector<1024x128xf32>
    %convert_element_type3A_15 = arith.truncf %get3A_14 : vector<1024x128xf32> to vector<1024x128xbf16>
    %dot_general3A = arith.constant dense<0.000000e+00> : vector<1024x1024xf32>
    %dot_general3A_16 = tpu.matmul %convert_element_type3A, %convert_element_type3A_15, %dot_general3A {dimension_numbers = #tpu.dot_dimension_numbers<[1], [1], [0], [0], [0, 0, 1, 0], [], []>, transpose_lhs_hint = false} : vector<1024x128xbf16>, vector<1024x128xbf16>, vector<1024x1024xf32> -> vector<1024x1024xf32>
    %mul3A_17 = arith.constant -1.44269502 : f32
    %mul3A_18 = vector.broadcast %mul3A_17 : f32 to vector<8x128xf32>
    %mul3A_19 = arith.mulf %add3A, %mul3A_18 : vector<8x128xf32>
    %min3A = arith.constant 3.000000e+01 : f32
    %min3A_20 = vector.broadcast %min3A : f32 to vector<8x128xf32>
    %min3A_21 = arith.minimumf %mul3A_19, %min3A_20 : vector<8x128xf32>
    %exp23A = math.exp2 %min3A_21 : vector<8x128xf32>
    %add3A_22 = arith.constant 1.000000e+00 : f32
    %add3A_23 = vector.broadcast %add3A_22 : f32 to vector<8x128xf32>
    %add3A_24 = arith.addf %add3A_23, %exp23A : vector<8x128xf32>
    %log3A = math.log %add3A_24 : vector<8x128xf32>
    %reduce_sum3A_25 = vector.shape_cast %log3A : vector<8x128xf32> to vector<1x8x128xf32>
    %reduce_sum3A_26 = arith.constant dense<0.000000e+00> : vector<1xf32>
    %reduce_sum3A_27 = vector.multi_reduction <add>, %reduce_sum3A_25, %reduce_sum3A_26 [1, 2] : vector<1x8x128xf32> to vector<1xf32>
    %reduce_sum3A_28 = vector.shape_cast %reduce_sum3A_27 : vector<1xf32> to vector<1x1x1xf32>
    %reduce_sum3A_29 = vector.extract %reduce_sum3A_28[0, 0, 0] : f32 from vector<1x1x1xf32>
    %get3A_30 = arith.constant 0 : index
    %get3A_31 = arith.constant 0 : index
    %get3A_32 = vector.load %arg5[%get3A_30, %get3A_31] : memref<1x1024xf32, #tpu.memory_space<vmem>>, vector<1x1024xf32>
    %mul3A_33 = arith.constant 1.44269502 : f32
    %mul3A_34 = vector.broadcast %mul3A_33 : f32 to vector<1x1024xf32>
    %mul3A_35 = arith.mulf %get3A_32, %mul3A_34 : vector<1x1024xf32>
    %add3A_36 = vector.broadcast %mul3A_35 : vector<1x1024xf32> to vector<1024x1024xf32>
    %add3A_37 = arith.addf %dot_general3A_16, %add3A_36 : vector<1024x1024xf32>
    %min3A_38 = arith.constant 3.000000e+01 : f32
    %min3A_39 = vector.broadcast %min3A_38 : f32 to vector<1024x1024xf32>
    %min3A_40 = arith.minimumf %add3A_37, %min3A_39 : vector<1024x1024xf32>
    %exp23A_41 = math.exp2 %min3A_40 : vector<1024x1024xf32>
    %slice3A = vector.extract_strided_slice %exp23A_41 {offsets = [0, 0], sizes = [256, 1024], strides = [1, 1]} : vector<1024x1024xf32> to vector<256x1024xf32>
    %add3A_42 = arith.constant 1.000000e+00 : f32
    %add3A_43 = vector.broadcast %add3A_42 : f32 to vector<256x1024xf32>
    %add3A_44 = arith.addf %add3A_43, %slice3A : vector<256x1024xf32>
    %slice3A_45 = vector.extract_strided_slice %exp23A_41 {offsets = [256, 0], sizes = [256, 1024], strides = [1, 1]} : vector<1024x1024xf32> to vector<256x1024xf32>
    %add3A_46 = arith.constant 1.000000e+00 : f32
    %add3A_47 = vector.broadcast %add3A_46 : f32 to vector<256x1024xf32>
    %add3A_48 = arith.addf %add3A_47, %slice3A_45 : vector<256x1024xf32>
    %mul3A_49 = arith.mulf %add3A_44, %add3A_48 : vector<256x1024xf32>
    %slice3A_50 = vector.extract_strided_slice %exp23A_41 {offsets = [512, 0], sizes = [256, 1024], strides = [1, 1]} : vector<1024x1024xf32> to vector<256x1024xf32>
    %add3A_51 = arith.constant 1.000000e+00 : f32
    %add3A_52 = vector.broadcast %add3A_51 : f32 to vector<256x1024xf32>
    %add3A_53 = arith.addf %add3A_52, %slice3A_50 : vector<256x1024xf32>
    %mul3A_54 = arith.mulf %mul3A_49, %add3A_53 : vector<256x1024xf32>
    %slice3A_55 = vector.extract_strided_slice %exp23A_41 {offsets = [768, 0], sizes = [256, 1024], strides = [1, 1]} : vector<1024x1024xf32> to vector<256x1024xf32>
    %add3A_56 = arith.constant 1.000000e+00 : f32
    %add3A_57 = vector.broadcast %add3A_56 : f32 to vector<256x1024xf32>
    %add3A_58 = arith.addf %add3A_57, %slice3A_55 : vector<256x1024xf32>
    %mul3A_59 = arith.mulf %mul3A_54, %add3A_58 : vector<256x1024xf32>
    %log3A_60 = math.log %mul3A_59 : vector<256x1024xf32>
    %reduce_sum3A_61 = vector.shape_cast %log3A_60 : vector<256x1024xf32> to vector<1x256x1024xf32>
    %reduce_sum3A_62 = arith.constant dense<0.000000e+00> : vector<1xf32>
    %reduce_sum3A_63 = vector.multi_reduction <add>, %reduce_sum3A_61, %reduce_sum3A_62 [1, 2] : vector<1x256x1024xf32> to vector<1xf32>
    %reduce_sum3A_64 = vector.shape_cast %reduce_sum3A_63 : vector<1xf32> to vector<1x1x1xf32>
    %reduce_sum3A_65 = vector.extract %reduce_sum3A_64[0, 0, 0] : f32 from vector<1x1x1xf32>
    %add3A_66 = arith.addf %reduce_sum3A_29, %reduce_sum3A_65 : f32
    %reshape3A_67 = vector.broadcast %add3A_66 : f32 to vector<1x1xf32>
    %eq3A = arith.constant 0 : i32
    %eq3A_68 = arith.cmpi eq, %arg0, %eq3A : i32
    %convert_element_type3A_69 = arith.extui %eq3A_68 : i1 to i32
    %cond3A = arith.constant 0 : i32
    %cond3A_70 = arith.cmpi ne, %convert_element_type3A_69, %cond3A : i32
    scf.if %cond3A_70 {
      %broadcast_in_dim3A = arith.constant 0.000000e+00 : f32
      %broadcast_in_dim3A_77 = vector.broadcast %broadcast_in_dim3A : f32 to vector<1x1xf32>
      %swap3A_78 = arith.constant 0 : index
      %swap3A_79 = arith.constant 0 : index
      %swap3A_80 = vector.load %arg6[%swap3A_78, %swap3A_79] : memref<1x1xf32, #tpu.memory_space<vmem>>, vector<1x1xf32>
      tpu.vector_store %arg6[%swap3A_78, %swap3A_79], %broadcast_in_dim3A_77 {strides = array<i32>} : memref<1x1xf32, #tpu.memory_space<vmem>>, vector<1x1xf32>,
    } else {
    }
    %get3A_71 = arith.constant 0 : index
    %get3A_72 = arith.constant 0 : index
    %get3A_73 = vector.load %arg6[%get3A_71, %get3A_72] : memref<1x1xf32, #tpu.memory_space<vmem>>, vector<1x1xf32>
    %add3A_74 = arith.addf %get3A_73, %reshape3A_67 : vector<1x1xf32>
    %swap3A = arith.constant 0 : index
    %swap3A_75 = arith.constant 0 : index
    %swap3A_76 = vector.load %arg6[%swap3A, %swap3A_75] : memref<1x1xf32, #tpu.memory_space<vmem>>, vector<1x1xf32>
    tpu.vector_store %arg6[%swap3A, %swap3A_75], %add3A_74 {strides = array<i32>} : memref<1x1xf32, #tpu.memory_space<vmem>>, vector<1x1xf32>,
    return
  }
  func.func @transform_0(%arg0: i32) -> (i32, i32) {
    %c0_i32 = arith.constant 0 : i32
    %c0_i32_0 = arith.constant 0 : i32
    return %arg0, %c0_i32 : i32, i32
  }
  func.func @transform_1(%arg0: i32) -> (i32, i32) {
    %c0_i32 = arith.constant 0 : i32
    %c0_i32_0 = arith.constant 0 : i32
    return %arg0, %c0_i32 : i32, i32
  }
  func.func @transform_2(%arg0: i32) -> (i32, i32) {
    %c0_i32 = arith.constant 0 : i32
    %c0_i32_0 = arith.constant 0 : i32
    return %arg0, %c0_i32 : i32, i32
  }
  func.func @transform_3(%arg0: i32) -> (i32, i32) {
    %c0_i32 = arith.constant 0 : i32
    %c0_i32_0 = arith.constant 0 : i32
    %c0_i32_1 = arith.constant 0 : i32
    return %c0_i32, %c0_i32_0 : i32, i32
  }
  func.func @transform_4(%arg0: i32) -> (i32, i32) {
    %c0_i32 = arith.constant 0 : i32
    %c0_i32_0 = arith.constant 0 : i32
    %c0_i32_1 = arith.constant 0 : i32
    return %c0_i32, %c0_i32_0 : i32, i32
  }
  func.func @transform_5(%arg0: i32) -> (i32, i32) {
    %c0_i32 = arith.constant 0 : i32
    %c0_i32_0 = arith.constant 0 : i32
    %c0_i32_1 = arith.constant 0 : i32
    return %c0_i32, %c0_i32_0 : i32, i32
  }
}

</mosaic_0001>

<sc_bundles>
// kernel: kernel.6.cloned.1.call-start
scs
__scs_entry_jumppad:
0x0: {  	(pc) =	sbr.rel $0x88, $3  }
0x1: {  	(tag) =	ssettag $0x0;
	lr =	simm.s32 $0x1  }
0x2: {  	[smem:$0x3F9B] =	sst lr;
	_ =	strace $0xD0000000  }
0x3: {  	_ = 	snop  }
0x4: {  	_ = 	snop  }
0x5: {  	_ = 	snop  }
0x6: {  	_ = 	snop  }
0x7: {  	_ = 	snop  }
__scs_overlays_trampoline_lowered:
0x8: {  	[smem:$0x3FAA] =	sst s0  }
0x9: {  	[smem:$0x3FAB] =	sst s1  }
0xa: {  	[smem:$0x3FAC] =	sst s2  }
0xb: {  	[smem:$0x3FAD] =	sst s3  }
0xc: {  	[smem:$0x3FAE] =	sst s4  }
0xd: {  	[smem:$0x3FAF] =	sst s5  }
0xe: {  	[smem:$0x3FB0] =	sst s6  }
0xf: {  	[smem:$0x3FB1] =	sst s7  }
0x10: {  	[smem:$0x3FB2] =	sst s8  }
0x11: {  	[smem:$0x3FB3] =	sst s9;
	s0 =	simm.s32 @!p0 $0x0  }
0x12: {  	s1 =	sld [smem:$0x3F99];
	s0 =	simm.s32 @p0 $0x1  }
0x13: {  	[smem:$0x3FB4] =	sst s0;
	s0 =	simm.s32 @!p1 $0x0  }
0x14: {  	s2 =	sld [smem:$0x3F98];
	s0 =	simm.s32 @p1 $0x1  }
0x15: {  	[smem:$0x3FB5] =	sst s0;
	s0 =	simm.s32 @!p2 $0x0  }
0x16: {  	s3 =	sld [smem:$0x3FDB];
	s0 =	simm.s32 @p2 $0x1  }
0x17: {  	s4 =	simm.s32 $0x1BF5;
	[smem:$0x3FB7] =	sst s0  }
0x18: {  	s0 =	sld [smem:$0x3F9A];
	_ =	swait.ge [sflag:s4], $0x0  }
0x19: {  	s7 =	sld [smem:$0x3F9B]  }
0x1a: {  	s8 =	sadd.s32 $0xFFFFE003, lr  }
0x1b: {  	s9 =	sadd.s32 $0xFFFFFEF7, lr;
	s5 =	simm.s32 $0xFFFFFFFF;
	p2 =	slt.u32 s8, $0xFFFFF086  }
0x1c: {  	p1 =	slt.u32 s9, $0xF7A;
	s5 =	simm.s32 @!p2 $0x0  }
0x1d: {  	s5 =	simm.s32 @p1 $0x1;
	p0 =	seq.s32 s7, s2  }
0x1e: {  	s7 =	smul.u32 @!p0 $0xF7A, s2;
	p2 =	seq.s32 @!p0 s5, $0x0  }
0x1f: {  	s9 =	smul.u32 $0xF7A, s1;
	s8 =	simm.s32 @!p0 $0x1BF5;
	p2 =	por !p2, p0  }
0x20: {  	[sflag:s8] =	ssyncset.s32 @!p0 $0xFFFFF086;
	s6 =	sadd.s32 @!p0 s3, s7;
	s7 =	simm.s32 @!p0 $0x108  }
0x21: {  	s3 =	sadd.s32 s3, s9;
	s6 =	sadd.s32 @!p0 $0x88, s6;
	s7 =	simm.s32 @p2 $0x1082  }
0x22: {  	[simem:s7], [sflag:s8] =	dma.local @!p0 [hbm:s6], $0xF7A  }
0x23: {  	s9 =	sor.u32 $0xD0000000, s2;
	s6 =	simm.s32 $0x108;
	_ =	swait.ge @!p0 [sflag:s8], $0x0  }
0x24: {  	s3 =	sadd.s32 $0x88, s3;
	s6 =	simm.s32 @!p1 $0x1082;
	[sflag:s4] =	ssyncset.s32 $0xFFFFF086  }
0x25: {  	[simem:s6], [sflag:s4] =	dma.local [hbm:s3], $0xF7A  }
0x26: {  	[smem:$0x3F9B] =	sst s1;
	(tag) =	ssettag s2;
	_ =	strace s9  }
0x27: {  	s1 =	sld [smem:$0x3FAB]  }
0x28: {  	s2 =	sld [smem:$0x3FAC]  }
0x29: {  	s4 =	sld [smem:$0x3FAE]  }
0x2a: {  	p0 =	seq.s32 s5, $0x0;
	s5 =	sld [smem:$0x3FAF]  }
0x2b: {  	s6 =	sld [smem:$0x3FB0]  }
0x2c: {  	s7 =	sld [smem:$0x3FB1]  }
0x2d: {  	s3 =	simm.s32 $0x108;
	s8 =	sld [smem:$0x3FB2]  }
0x2e: {  	s3 =	simm.s32 @!p0 $0x1082;
	s9 =	sld [smem:$0x3FB3]  }
0x2f: {  	lr =	sadd.s32 s0, s3;
	s0 =	sld [smem:$0x3FAA]  }
0x30: {  	s3 =	sld [smem:$0x3FAD]  }
0x31: {  	[smem:$0x3FB6] =	sst s10  }
0x32: {  	s10 =	sld [smem:$0x3FB4];
	_ =	sdelay $0x3  }
0x33: {  	p0 =	seq.s32 s10, $0x1;
	s10 =	sld [smem:$0x3FB6];
	_ =	sdelay $0x3  }
0x34: {  	[smem:$0x3FB6] =	sst s10  }
0x35: {  	s10 =	sld [smem:$0x3FB5];
	_ =	sdelay $0x3  }
0x36: {  	p1 =	seq.s32 s10, $0x1;
	s10 =	sld [smem:$0x3FB6];
	_ =	sdelay $0x3  }
0x37: {  	[smem:$0x3FB6] =	sst s10  }
0x38: {  	s10 =	sld [smem:$0x3FB7]  }
0x39: {  	_ = 	snop;
	(pc) =	sbr.ind lr, $3  }
0x3a: {  	_ = 	snop  }
0x3b: {  	_ = 	snop  }
0x3c: {  	p2 =	seq.s32 s10, $0x1;
	s10 =	sld [smem:$0x3FB6]  }
0x3d: {  	_ =	shalt  }
0x3e: {  	_ =	shalt  }
0x3f: {  	_ =	shalt  }
0x40: {  	_ =	shalt  }
0x41: {  	_ =	shalt  }
0x42: {  	_ =	shalt  }
0x43: {  	_ =	shalt  }
0x44: {  	_ =	shalt  }
0x45: {  	_ =	shalt  }
0x46: {  	_ =	shalt  }
0x47: {  	_ =	shalt  }
0x48: {  	_ =	shalt  }
0x49: {  	_ =	shalt  }
0x4a: {  	_ =	shalt  }
0x4b: {  	_ =	shalt  }
0x4c: {  	_ =	shalt  }
0x4d: {  	_ =	shalt  }
0x4e: {  	_ =	shalt  }
0x4f: {  	_ =	shalt  }
0x50: {  	_ =	shalt  }
0x51: {  	_ =	shalt  }
0x52: {  	_ =	shalt  }
0x53: {  	_ =	shalt  }
0x54: {  	_ =	shalt  }
0x55: {  	_ =	shalt  }
0x56: {  	_ =	shalt  }
0x57: {  	_ =	shalt  }
0x58: {  	_ =	shalt  }
0x59: {  	_ =	shalt  }
0x5a: {  	_ =	shalt  }
0x5b: {  	_ =	shalt  }
0x5c: {  	_ =	shalt  }
0x5d: {  	_ =	shalt  }
0x5e: {  	_ =	shalt  }
0x5f: {  	_ =	shalt  }
0x60: {  	_ =	shalt  }
0x61: {  	_ =	shalt  }
0x62: {  	_ =	shalt  }
0x63: {  	_ =	shalt  }
0x64: {  	_ =	shalt  }
0x65: {  	_ =	shalt  }
0x66: {  	_ =	shalt  }
0x67: {  	_ =	shalt  }
0x68: {  	_ =	shalt  }
0x69: {  	_ =	shalt  }
0x6a: {  	_ =	shalt  }
0x6b: {  	_ =	shalt  }
0x6c: {  	_ =	shalt  }
0x6d: {  	_ =	shalt  }
0x6e: {  	_ =	shalt  }
0x6f: {  	_ =	shalt  }
0x70: {  	_ =	shalt  }
0x71: {  	_ =	shalt  }
0x72: {  	_ =	shalt  }
0x73: {  	_ =	shalt  }
0x74: {  	_ =	shalt  }
0x75: {  	_ =	shalt  }
0x76: {  	_ =	shalt  }
0x77: {  	_ =	shalt  }
0x78: {  	_ =	shalt  }
0x79: {  	_ =	shalt  }
0x7a: {  	_ =	shalt  }
0x7b: {  	_ =	shalt  }
0x7c: {  	_ =	shalt  }
0x7d: {  	_ =	shalt  }
0x7e: {  	_ =	shalt  }
0x7f: {  	_ =	shalt  }
0x80: {  	_ =	shalt  }
0x81: {  	_ =	shalt  }
0x82: {  	_ =	shalt  }
0x83: {  	_ =	shalt  }
0x84: {  	_ =	shalt  }
0x85: {  	_ =	shalt  }
0x86: {  	_ =	shalt  }
0x87: {  	_ =	shalt  }
.Lfunc_end0:
.L_simem_size_0:
called_computation_lowered:
.L_overlay_start_0:
0x88: {  	s2 =	sld [smem:$0x3FD9]  }
0x89: {  	s3 =	sld [smem:$0x3FFE];
	_ =	sdelay $0x1  }
0x8a: {  	s1 =	srdreg.scid  }
0x8b: {  	s0 =	sand.u32 $0x1, s1  }
0x8c: {  	s17 =	sshll.u32 s0, $0xA;
	s2 =	sadd.s32 s3, s2  }
0x8d: {  	s2 =	sadd.s32 s2, s17  }
0x8e: {  	[smem:$0x3FC2] =	sst s2  }
0x8f: {  	_ = 	snop  }
0x90: {  	s2 =	sld [smem:$0x3FC9]  }
0x91: {  	s18 =	sld [smem:$0x3FC8]  }
0x92: {  	s4 =	sld [smem:$0x3FC7]  }
0x93: {  	s5 =	sld [smem:$0x3FC6]  }
0x94: {  	s6 =	sld [smem:$0x3FC5]  }
0x95: {  	s7 =	sld [smem:$0x3FC4];
	(tm) =	ssettm $0x1  }
0x96: {  	s8 =	sld [smem:$0x3FFB];
	_ =	sdelay $0x3  }
0x97: {  	_ =	strace s8  }
0x98: {  	s8 =	sld [smem:$0x3FFC];
	_ =	sdelay $0x3  }
0x99: {  	_ =	strace s8  }
0x9a: {  	s8 =	sld [smem:$0x3FFD];
	_ =	sdelay $0x3  }
0x9b: {  	_ =	strace s8  }
0x9c: {  	_ =	strace $0x8FFFFFFF  }
0x9d: {  	s19 =	sld [smem:$0x3FDB];
	_ =	sdelay $0x1  }
0x9e: {  	s9 =	simm.s32 $_scs_section_size  }
0x9f: {  	s10 =	simm.s32 $_size__tile_overlayer_lowered;
	s11 =	simm.s32 $_tile_overlayer_lowered  }
0xa0: {  	s22 =	simm.s32 $0x1BFF;
	s21 =	sshll.u32 s11, $0x1;
	s8 =	sadd.s32 s9, s19  }
0xa1: {  	s12 =	simm.s32 $0x0;
	s20 =	sshll.u32 s10, $0x1;
	s10 =	sadd.s32 s21, s8  }
0xa2: {  	[timem:s12], [sflag:s22] =	dma.local [hbm:s10], s20  }
0xa3: {  	_ =	swait.ge [sflag:s22], s20  }
0xa4: {  	s9 =	ssub.s32 $0x0, s20;
	[sflag:s22] =	ssyncset.done $0x0  }
0xa5: {  	[sflag:s22] =	ssyncadd.s32 s9;
	_ =	sdelay $0x1  }
0xa6: {  	s23 =	simm.s32 $0x1B8B  }
0xa7: {  	_ =	swait.ge [sflag:s23], $0x1  }
0xa8: {  	[sflag:s23] =	ssyncset.done $0x0  }
0xa9: {  	s25 =	simm.s32 $0x1B8E;
	s24 =	sld [smem:$0x3FFE];
	[sflag:s23] =	ssyncadd.s32 $0xFFFFFFFF  }
0xaa: {  	s26 =	simm.s32 $execute0_lowered;
	[smem:$0x3FD2] =	sst s25  }
0xab: {  	s10 =	sshll.u32 s26, $0x1;
	_ =	strace $0x80000046;
	[dreg:$0x1] =	wrdreg $0xFFFFFFFF  }
0xac: {  	s28 =	simm.s32 $_size_execute0_lowered;
	s8 =	sadd.s32 s8, s10;
	[dreg:$0x0] =	wrdreg $0x0  }
0xad: {  	s10 =	sshll.u32 s28, $0x1;
	[dreg:$0x2] =	wrdreg s8  }
0xae: {  	[dreg:$0x3] =	wrdreg s10  }
0xaf: {  	[dreg:$0x4] =	wrdreg $0xC0  }
0xb0: {  	_ =	task [dreg:s12], $0x5FFFF  }
0xb1: {  	[dreg:$0x1] =	wrdreg $0xFFFFFFFF  }
0xb2: {  	[dreg:$0x0] =	wrdreg $0x60  }
0xb3: {  	[dreg:$0x2] =	wrdreg s2  }
0xb4: {  	[dreg:$0x3] =	wrdreg s18  }
0xb5: {  	[dreg:$0x4] =	wrdreg s4  }
0xb6: {  	[dreg:$0x5] =	wrdreg s5  }
0xb7: {  	[dreg:$0x6] =	wrdreg s6  }
0xb8: {  	[dreg:$0x7] =	wrdreg s7  }
0xb9: {  	[dreg:$0x8] =	wrdreg s24  }
0xba: {  	[dreg:$0x9] =	wrdreg $0x9  }
0xbb: {  	_ =	task.clear_ibuf [dreg:s12], $0xAFFFF;
	_ =	strace $0x90000046  }
0xbc: {  	s29 =	simm.s32 $0x9;
	_ =	strace $0x80000048  }
0xbd: {  	_ =	swait.ge [sflag:s29], $0x1  }
0xbe: {  	[sflag:s29] =	ssyncadd.s32 $0xFFFFFFFF  }
0xbf: {  	_ =	strace $0x90000048  }
0xc0: {  	_ =	sfence  }
0xc1: {  	s30 =	sld [smem:$0x0];
	_ =	sdelay $0x2  }
0xc2: {  	s31 =	sshll.u32 s1, $0xD;
	s1 =	sshrl.u32 s1, $0x2  }
0xc3: {  	s3 =	sand.u32 $0x4000, s31;
	s1 =	sadd.s32 s1, s30  }
0xc4: {  	s0 =	sor.u32 s3, s0;
	s1 =	sshll.u32 s1, $0x11  }
0xc5: {  	s0 =	sor.u32 s1, s0  }
0xc6: {  	s0 =	sadd.s32 $0x8F2B, s0  }
0xc7: {  	[sflag:s0] =	ssyncadd.remote.s32 $0x1  }
0xc8: {  	_ =	sfence.sel $0xFFFF  }
0xc9: {  	[dreg:$0x0] =	wrdreg $0xFFFFFFFF;
	(pc) =	sbr.abs _section_cstart, $3  }
0xca: {  	[dreg:$0x1] =	wrdreg $0xFFFFFFFF  }
0xcb: {  	_ =	task.clear_ibuf [dreg:s12], $0x2FFFF;
	_ =	strace $0x9FFFFFFF  }
0xcc: {  	(tm) =	ssettm $0x7FFFFFFF  }
0xcd: {  	_ =	shalt  }
tec
execute0_lowered:
.L_overlay_start_1:
0x0: {  	(tag) =	ssettag $0x1  }
0x1: {  	s0 =	rddreg [dreg:$0x0]  }
0x2: {  	s1 =	rddreg [dreg:$0x1]  }
0x3: {  	s3 =	rddreg [dreg:$0x2]  }
0x4: {  	s5 =	rddreg [dreg:$0x3]  }
0x5: {  	s4 =	rddreg [dreg:$0x4]  }
0x6: {  	s7 =	rddreg [dreg:$0x5]  }
0x7: {  	s6 =	rddreg [dreg:$0x6];
	s8 =	srdreg.scid  }
0x8: {  	s9 =	stileid.u32;
	s2 =	simm.s32 $0x0;
	s28 =	simm.s32 $0x10300  }
0x9: {  	s31 =	simm.s32 $0x1;
	s30 =	simm.s32 $0x20;
	s29 =	simm.s32 $0x2  }
0xa: {  	p0 =	por $0x0, $0x0;
	s8 =	sand.u32 $0x1, s8;
	s9 =	sshll.u32 s9, $0x1  }
0xb: {  	[smem:$0x7FF] =	sst s2;
	s12 =	sadd.s32 $0x2400, s6;
	s15 =	sadd.s32 $0x22400, s6  }
0xc: {  	s23 =	sadd.s32 $0x42400, s6;
	s9 =	sor.u32 s8, s9;
	_ =	strace $0x80000047  }
0xd: {  	s10 =	sshll.u32 s9, $0x8;
	s11 =	sshll.u32 s9, $0x5;
	s17 =	sshll.u32 s9, $0x2  }
0xe: {  	s20 =	sshll.u32 s9, $0xC;
	s9 =	sshll.u32 s9, $0x9;
	s13 =	sadd.s32 s0, s11  }
0xf: {  	s10 =	sor.u32 $0x80, s10;
	s16 =	sadd.s32 s1, s11;
	[dreg:$0x8] =	wrdreg s13  }
0x10: {  	s19 =	sadd.s32 s3, s17;
	s21 =	sadd.s32 s12, s20;
	[dreg:$0x9] =	wrdreg s16  }
0x11: {  	s25 =	sadd.s32 s15, s20;
	s26 =	sadd.s32 s9, s6;
	[dreg:$0xc] =	wrdreg s19  }
0x12: {  	s20 =	simm.s32 $0x100;
	s14 =	sshrl.u32 s10, $0x3;
	[dreg:$0xd] =	wrdreg s21  }
0x13: {  	s22 =	sshll.u32 s10, $0x4;
	[dreg:$0xf] =	wrdreg s25;
	s13 =	sadd.s32 $0x42800, s26  }
0x14: {  	s21 =	simm.s32 $0x80;
	s10 =	simm.s32 $0x10380;
	s25 =	simm.s32 $0x200  }
0x15: {  	s26 =	simm.s32 $0x3;
	s0 =	sadd.s32 s0, s14;
	s18 =	sadd.s32 s1, s14  }
0x16: {  	s24 =	sadd.s32 s12, s22;
	s9 =	sadd.s32 s15, s22;
	s12 =	sadd.s32 s17, s6  }
0x17: {  	s15 =	ssub.s32 $0x2, s8;
	[dreg:$0x11] =	wrdreg s13;
	s3 =	sadd.s32 s23, s14  }
0x18: {  	s8 =	simm.s32 $0x10200;
	s6 =	simm.s32 $0x10280;
	[dreg:$0xa] =	wrdreg s0  }
0x19: {  	s22 =	simm.s32 $0x4200;
	[dreg:$0xb] =	wrdreg s18;
	s17 =	sshrl.u32 s15, $0x1  }
0x1a: {  	s14 =	simm.s32 $0xC200;
	[dreg:$0xe] =	wrdreg s24;
	s1 =	ssub.s32 s15, s17  }
0x1b: {  	s13 =	simm.s32 $0x9;
	[dreg:$0x10] =	wrdreg s9;
	s19 =	smax.u32 s1, $0x1  }
0x1c: {  	s16 =	sadd.s32 $0x46800, s12;
	s18 =	sadd.s32 s23, s11;
	p1 =	sne.s32 s19, $0x1  }
.Ltmp0:
0x1d: {  	s23 =	simm.s32 $0x180;
	s9 =	simm.s32 $0x11380;
	(pc) =	sbr.rel @!p1 .LBB2_3-.Ltmp0, $4  }
0x1e: {  	s24 =	simm.s32 $0x4;
	s12 =	simm.s32 $0xA;
	[dreg:$0x12] =	wrdreg s16  }
0x1f: {  	s11 =	simm.s32 $0xB;
	[dreg:$0x13] =	wrdreg s18;
	s17 =	simm.s32 $0x8200  }
0x20: {  	s18 =	simm.s32 $0x5;
	s16 =	simm.s32 $0x7;
	s15 =	simm.s32 $0x8  }
0x21: {  	s1 =	rddreg [dreg:$0x8];
	s0 =	sadd.s32 $0xFFFFFFFF, s19;
	s19 =	simm.s32 $0x6  }
0x22: {  	[dreg:$0x14] =	wrdreg s0  }
0x23: {  	[tilespmem:s2], [sflag:$0x1] =	stream.linear.gather [hbm4b:s1+s2], $0x80, $0x38;
	[tilespmem:$0x11400] =	vst v63  }
0x24: {  	s0 =	rddreg [dreg:$0x9]  }
0x25: {  	[tilespmem:s20], [sflag:$0x1] =	stream.linear.gather [hbm4b:s0+s2], $0x80, $0x38;
	[tilespmem:$0x11400] =	vst v63  }
0x26: {  	s1 =	rddreg [dreg:$0xa]  }
0x27: {  	[tilespmem:s21], [sflag:$0x1] =	stream.linear.gather [hbm4b:s1+s2], $0x80, $0x38;
	[tilespmem:$0x11400] =	vst v63  }
0x28: {  	s0 =	rddreg [dreg:$0xb]  }
0x29: {  	[tilespmem:s23], [sflag:$0x1] =	stream.linear.gather [hbm4b:s0+s2], $0x80, $0x38;
	[tilespmem:$0x11400] =	vst v63  }
0x2a: {  	s1 =	rddreg [dreg:$0xc]  }
0x2b: {  	[tilespmem:s28], [sflag:$0x1] =	stream.linear.gather [hbm4b:s1+s2], $0x20, $0x38;
	[tilespmem:$0x11400] =	vst v63  }
0x2c: {  	_ =	swait.ge [sflag:s31], $0x80  }
0x2d: {  	[sflag:s31] =	ssyncset.done $0x0  }
0x2e: {  	[sflag:s31] =	ssyncadd.s32 $0xFFFFFF80  }
0x2f: {  	_ =	swait.ge [sflag:s31], $0x80  }
0x30: {  	[sflag:s31] =	ssyncset.done $0x0  }
0x31: {  	[sflag:s31] =	ssyncadd.s32 $0xFFFFFF80  }
0x32: {  	_ =	swait.ge [sflag:s31], $0x80  }
0x33: {  	[sflag:s31] =	ssyncset.done $0x0  }
0x34: {  	[sflag:s31] =	ssyncadd.s32 $0xFFFFFF80  }
0x35: {  	_ =	swait.ge [sflag:s31], $0x80  }
0x36: {  	[sflag:s31] =	ssyncset.done $0x0  }
0x37: {  	[sflag:s31] =	ssyncadd.s32 $0xFFFFFF80  }
0x38: {  	_ =	swait.ge [sflag:s31], $0x20  }
0x39: {  	[sflag:s31] =	ssyncset.done $0x0  }
0x3a: {  	[sflag:s31] =	ssyncadd.s32 $0xFFFFFFE0  }
0x3b: {  	[tilespmem:s10], [sflag:$0xA] =	stream.indirect.gather [hbm4b:s4+s30], $0x80, s28, s30, $0xb8;
	[tilespmem:$0x11400] =	vst v63  }
0x3c: {  	_ = 	snop  }
0x3d: {  	[tilespmem:s9], [sflag:$0xA] =	stream.indirect.gather [hbm4b:s7+s30], $0x1, s28, s30, $0xb8;
	[tilespmem:$0x11400] =	vst v63  }
0x3e: {  	_ = 	snop  }
0x3f: {  	[tilespmem:s8], [sflag:$0xA] =	stream.indirect.gather [hbm4b:s7+s21], $0x1, s20, s21, $0xb8;
	[tilespmem:$0x11400] =	vst v63  }
0x40: {  	_ = 	snop  }
0x41: {  	[tilespmem:s6], [sflag:$0xA] =	stream.indirect.gather [hbm4b:s7+s21], $0x1, s23, s21, $0xb8;
	[tilespmem:$0x11400] =	vst v63  }
0x42: {  	_ = 	snop  }
0x43: {  	[tilespmem:s25], [sflag:$0x2] =	stream.indirect.gather [hbm4b:s5+s21], $0x80, s2, s21, $0xb8;
	[tilespmem:$0x11400] =	vst v63  }
0x44: {  	_ = 	snop  }
0x45: {  	[tilespmem:s22], [sflag:$0x3] =	stream.indirect.gather [hbm4b:s5+s21], $0x80, s21, s21, $0xb8;
	[tilespmem:$0x11400] =	vst v63  }
0x46: {  	_ = 	snop  }
0x47: {  	[tilespmem:s17], [sflag:$0x4] =	stream.indirect.gather [hbm4b:s4+s21], $0x80, s20, s21, $0xb8;
	[tilespmem:$0x11400] =	vst v63  }
0x48: {  	_ = 	snop  }
0x49: {  	[tilespmem:s14], [sflag:$0x5] =	stream.indirect.gather [hbm4b:s4+s21], $0x80, s23, s21, $0xb8;
	[tilespmem:$0x11400] =	vst v63  }
0x4a: {  	_ =	swait.ge [sflag:s29], $0x4000  }
0x4b: {  	[sflag:s29] =	ssyncset.done $0x0  }
0x4c: {  	s1 =	rddreg [dreg:$0xd];
	[sflag:s29] =	ssyncadd.s32 $0xFFFFC000  }
0x4d: {  	[hbm4b:s1+s2] =	stream.linear.scatter [tilespmem:s25], [sflag:$0x6], $0x4000, $0x38;
	[tilespmem:$0x11400] =	vst v63  }
0x4e: {  	_ =	swait.ge [sflag:s26], $0x4000  }
0x4f: {  	[sflag:s26] =	ssyncset.done $0x0  }
0x50: {  	s1 =	rddreg [dreg:$0xe];
	[sflag:s26] =	ssyncadd.s32 $0xFFFFC000  }
0x51: {  	[hbm4b:s1+s2] =	stream.linear.scatter [tilespmem:s22], [sflag:$0x7], $0x4000, $0x38;
	[tilespmem:$0x11400] =	vst v63  }
0x52: {  	_ =	swait.ge [sflag:s24], $0x4000  }
0x53: {  	[sflag:s24] =	ssyncset.done $0x0  }
0x54: {  	s1 =	rddreg [dreg:$0xf];
	[sflag:s24] =	ssyncadd.s32 $0xFFFFC000  }
0x55: {  	[hbm4b:s1+s2] =	stream.linear.scatter [tilespmem:s17], [sflag:$0x8], $0x4000, $0x38;
	[tilespmem:$0x11400] =	vst v63  }
0x56: {  	_ =	swait.ge [sflag:s18], $0x4000  }
0x57: {  	[sflag:s18] =	ssyncset.done $0x0  }
0x58: {  	s1 =	rddreg [dreg:$0x10];
	[sflag:s18] =	ssyncadd.s32 $0xFFFFC000  }
0x59: {  	[hbm4b:s1+s2] =	stream.linear.scatter [tilespmem:s14], [sflag:$0x9], $0x4000, $0x38;
	[tilespmem:$0x11400] =	vst v63  }
0x5a: {  	_ =	swait.ge [sflag:s19], $0x4000  }
0x5b: {  	[sflag:s19] =	ssyncset.done $0x0  }
0x5c: {  	[sflag:s19] =	ssyncadd.s32 $0xFFFFC000  }
0x5d: {  	_ =	swait.ge [sflag:s16], $0x4000  }
0x5e: {  	[sflag:s16] =	ssyncset.done $0x0  }
0x5f: {  	[sflag:s16] =	ssyncadd.s32 $0xFFFFC000  }
0x60: {  	_ =	swait.ge [sflag:s15], $0x4000  }
0x61: {  	[sflag:s15] =	ssyncset.done $0x0  }
0x62: {  	[sflag:s15] =	ssyncadd.s32 $0xFFFFC000  }
0x63: {  	_ =	swait.ge [sflag:s13], $0x4000  }
0x64: {  	[sflag:s13] =	ssyncset.done $0x0  }
0x65: {  	[sflag:s13] =	ssyncadd.s32 $0xFFFFC000  }
0x66: {  	_ =	swait.ge [sflag:s12], $0x1000  }
0x67: {  	[sflag:s12] =	ssyncset.done $0x0  }
0x68: {  	[sflag:s12] =	ssyncadd.s32 $0xFFFFF000  }
0x69: {  	_ =	swait.ge [sflag:s12], $0x20  }
0x6a: {  	[sflag:s12] =	ssyncset.done $0x0  }
0x6b: {  	[sflag:s12] =	ssyncadd.s32 $0xFFFFFFE0  }
0x6c: {  	_ =	swait.ge [sflag:s12], $0x80  }
0x6d: {  	[sflag:s12] =	ssyncset.done $0x0  }
0x6e: {  	[sflag:s12] =	ssyncadd.s32 $0xFFFFFF80  }
0x6f: {  	_ =	swait.ge [sflag:s12], $0x80  }
0x70: {  	[sflag:s12] =	ssyncset.done $0x0  }
0x71: {  	s1 =	rddreg [dreg:$0x11];
	[sflag:s12] =	ssyncadd.s32 $0xFFFFFF80  }
0x72: {  	[hbm4b:s1+s2] =	stream.linear.scatter [tilespmem:s10], [sflag:$0xB], $0x1000, $0x38;
	[tilespmem:$0x11400] =	vst v63  }
0x73: {  	_ =	swait.ge [sflag:s11], $0x1000  }
0x74: {  	[sflag:s11] =	ssyncset.done $0x0  }
0x75: {  	s1 =	rddreg [dreg:$0x12];
	[sflag:s11] =	ssyncadd.s32 $0xFFFFF000  }
0x76: {  	[hbm4b:s1+s2] =	stream.linear.scatter [tilespmem:s9], [sflag:$0xB], $0x20, $0x38;
	[tilespmem:$0x11400] =	vst v63  }
0x77: {  	_ =	swait.ge [sflag:s11], $0x20  }
0x78: {  	[sflag:s11] =	ssyncset.done $0x0  }
0x79: {  	s1 =	rddreg [dreg:$0x13];
	[sflag:s11] =	ssyncadd.s32 $0xFFFFFFE0  }
0x7a: {  	[hbm4b:s1+s2] =	stream.linear.scatter [tilespmem:s8], [sflag:$0xB], $0x80, $0x38;
	[tilespmem:$0x11400] =	vst v63  }
0x7b: {  	_ =	swait.ge [sflag:s11], $0x80  }
0x7c: {  	s1 =	rddreg [dreg:$0x14]  }
0x7d: {  	p1 =	sne.s32 s1, $0x1  }
.Ltmp1:
0x7e: {  	[sflag:s11] =	ssyncset.done $0x0;
	(pc) =	sbr.rel @!p1 .LBB2_3-.Ltmp1, $4  }
0x7f: {  	[sflag:s11] =	ssyncadd.s32 $0xFFFFFF80  }
0x80: {  	[hbm4b:s3+s2] =	stream.linear.scatter [tilespmem:s6], [sflag:$0xB], $0x80, $0x38;
	[tilespmem:$0x11400] =	vst v63  }
0x81: {  	p0 =	por $0x1, $0x1;
	_ =	swait.ge [sflag:s11], $0x80  }
0x82: {  	s0 =	sadd.s32 $0xFFFFFFFF, s1;
	s1 =	rddreg [dreg:$0x8];
	[sflag:s11] =	ssyncset.done $0x0  }
.LBB2_2:
0x83: {  	[sflag:s11] =	ssyncadd.s32 $0xFFFFFF80  }
0x84: {  	[tilespmem:s2], [sflag:$0x1] =	stream.linear.gather [hbm4b:s1+s2], $0x80, $0x38;
	[tilespmem:$0x11400] =	vst v63  }
0x85: {  	s6 =	smov.u32 s5;
	s5 =	smov.u32 s3;
	s3 =	rddreg [dreg:$0x9]  }
0x86: {  	[tilespmem:s20], [sflag:$0x1] =	stream.linear.gather [hbm4b:s3+s2], $0x80, $0x38;
	[tilespmem:$0x11400] =	vst v63  }
0x87: {  	s1 =	rddreg [dreg:$0xa]  }
0x88: {  	[tilespmem:s21], [sflag:$0x1] =	stream.linear.gather [hbm4b:s1+s2], $0x80, $0x38;
	[tilespmem:$0x11400] =	vst v63  }
0x89: {  	s3 =	rddreg [dreg:$0xb]  }
0x8a: {  	[tilespmem:s23], [sflag:$0x1] =	stream.linear.gather [hbm4b:s3+s2], $0x80, $0x38;
	[tilespmem:$0x11400] =	vst v63  }
0x8b: {  	s1 =	rddreg [dreg:$0xc]  }
0x8c: {  	[tilespmem:s28], [sflag:$0x1] =	stream.linear.gather [hbm4b:s1+s2], $0x20, $0x38;
	[tilespmem:$0x11400] =	vst v63  }
0x8d: {  	_ =	swait.ge [sflag:s31], $0x80  }
0x8e: {  	[sflag:s31] =	ssyncset.done $0x0  }
0x8f: {  	[sflag:s31] =	ssyncadd.s32 $0xFFFFFF80  }
0x90: {  	_ =	swait.ge [sflag:s31], $0x80  }
0x91: {  	[sflag:s31] =	ssyncset.done $0x0  }
0x92: {  	[sflag:s31] =	ssyncadd.s32 $0xFFFFFF80  }
0x93: {  	_ =	swait.ge [sflag:s31], $0x80  }
0x94: {  	[sflag:s31] =	ssyncset.done $0x0  }
0x95: {  	[sflag:s31] =	ssyncadd.s32 $0xFFFFFF80  }
0x96: {  	_ =	swait.ge [sflag:s31], $0x80  }
0x97: {  	[sflag:s31] =	ssyncset.done $0x0  }
0x98: {  	[sflag:s31] =	ssyncadd.s32 $0xFFFFFF80  }
0x99: {  	_ =	swait.ge [sflag:s31], $0x20  }
0x9a: {  	[sflag:s31] =	ssyncset.done $0x0  }
0x9b: {  	[sflag:s31] =	ssyncadd.s32 $0xFFFFFFE0  }
0x9c: {  	[tilespmem:s10], [sflag:$0xA] =	stream.indirect.gather [hbm4b:s4+s30], $0x80, s28, s30, $0xb8;
	[tilespmem:$0x11400] =	vst v63  }
0x9d: {  	_ = 	snop  }
0x9e: {  	[tilespmem:s9], [sflag:$0xA] =	stream.indirect.gather [hbm4b:s7+s30], $0x1, s28, s30, $0xb8;
	[tilespmem:$0x11400] =	vst v63  }
0x9f: {  	_ = 	snop  }
0xa0: {  	[tilespmem:s8], [sflag:$0xA] =	stream.indirect.gather [hbm4b:s7+s21], $0x1, s20, s21, $0xb8;
	[tilespmem:$0x11400] =	vst v63  }
0xa1: {  	s3 =	smov.u32 s5;
	s5 =	smov.u32 s6;
	s6 =	simm.s32 $0x10280  }
0xa2: {  	[tilespmem:s6], [sflag:$0xA] =	stream.indirect.gather [hbm4b:s7+s21], $0x1, s23, s21, $0xb8;
	[tilespmem:$0x11400] =	vst v63  }
0xa3: {  	_ = 	snop  }
0xa4: {  	[tilespmem:s25], [sflag:$0x2] =	stream.indirect.gather [hbm4b:s5+s21], $0x80, s2, s21, $0xb8;
	[tilespmem:$0x11400] =	vst v63  }
0xa5: {  	_ = 	snop  }
0xa6: {  	[tilespmem:s22], [sflag:$0x3] =	stream.indirect.gather [hbm4b:s5+s21], $0x80, s21, s21, $0xb8;
	[tilespmem:$0x11400] =	vst v63  }
0xa7: {  	_ = 	snop  }
0xa8: {  	[tilespmem:s17], [sflag:$0x4] =	stream.indirect.gather [hbm4b:s4+s21], $0x80, s20, s21, $0xb8;
	[tilespmem:$0x11400] =	vst v63  }
0xa9: {  	_ = 	snop  }
0xaa: {  	[tilespmem:s14], [sflag:$0x5] =	stream.indirect.gather [hbm4b:s4+s21], $0x80, s23, s21, $0xb8;
	[tilespmem:$0x11400] =	vst v63  }
0xab: {  	_ =	swait.ge [sflag:s29], $0x4000  }
0xac: {  	[sflag:s29] =	ssyncset.done $0x0  }
0xad: {  	s1 =	rddreg [dreg:$0xd];
	[sflag:s29] =	ssyncadd.s32 $0xFFFFC000  }
0xae: {  	[hbm4b:s1+s2] =	stream.linear.scatter [tilespmem:s25], [sflag:$0x6], $0x4000, $0x38;
	[tilespmem:$0x11400] =	vst v63  }
0xaf: {  	_ =	swait.ge [sflag:s26], $0x4000  }
0xb0: {  	[sflag:s26] =	ssyncset.done $0x0  }
0xb1: {  	s1 =	rddreg [dreg:$0xe];
	[sflag:s26] =	ssyncadd.s32 $0xFFFFC000  }
0xb2: {  	[hbm4b:s1+s2] =	stream.linear.scatter [tilespmem:s22], [sflag:$0x7], $0x4000, $0x38;
	[tilespmem:$0x11400] =	vst v63  }
0xb3: {  	_ =	swait.ge [sflag:s24], $0x4000  }
0xb4: {  	[sflag:s24] =	ssyncset.done $0x0  }
0xb5: {  	s1 =	rddreg [dreg:$0xf];
	[sflag:s24] =	ssyncadd.s32 $0xFFFFC000  }
0xb6: {  	[hbm4b:s1+s2] =	stream.linear.scatter [tilespmem:s17], [sflag:$0x8], $0x4000, $0x38;
	[tilespmem:$0x11400] =	vst v63  }
0xb7: {  	_ =	swait.ge [sflag:s18], $0x4000  }
0xb8: {  	[sflag:s18] =	ssyncset.done $0x0  }
0xb9: {  	s1 =	rddreg [dreg:$0x10];
	[sflag:s18] =	ssyncadd.s32 $0xFFFFC000  }
0xba: {  	[hbm4b:s1+s2] =	stream.linear.scatter [tilespmem:s14], [sflag:$0x9], $0x4000, $0x38;
	[tilespmem:$0x11400] =	vst v63  }
0xbb: {  	_ =	swait.ge [sflag:s19], $0x4000  }
0xbc: {  	[sflag:s19] =	ssyncset.done $0x0  }
0xbd: {  	[sflag:s19] =	ssyncadd.s32 $0xFFFFC000  }
0xbe: {  	_ =	swait.ge [sflag:s16], $0x4000  }
0xbf: {  	[sflag:s16] =	ssyncset.done $0x0  }
0xc0: {  	[sflag:s16] =	ssyncadd.s32 $0xFFFFC000  }
0xc1: {  	_ =	swait.ge [sflag:s15], $0x4000  }
0xc2: {  	[sflag:s15] =	ssyncset.done $0x0  }
0xc3: {  	[sflag:s15] =	ssyncadd.s32 $0xFFFFC000  }
0xc4: {  	_ =	swait.ge [sflag:s13], $0x4000  }
0xc5: {  	[sflag:s13] =	ssyncset.done $0x0  }
0xc6: {  	[sflag:s13] =	ssyncadd.s32 $0xFFFFC000  }
0xc7: {  	_ =	swait.ge [sflag:s12], $0x1000  }
0xc8: {  	[sflag:s12] =	ssyncset.done $0x0  }
0xc9: {  	[sflag:s12] =	ssyncadd.s32 $0xFFFFF000  }
0xca: {  	_ =	swait.ge [sflag:s12], $0x20  }
0xcb: {  	[sflag:s12] =	ssyncset.done $0x0  }
0xcc: {  	[sflag:s12] =	ssyncadd.s32 $0xFFFFFFE0  }
0xcd: {  	_ =	swait.ge [sflag:s12], $0x80  }
0xce: {  	[sflag:s12] =	ssyncset.done $0x0  }
0xcf: {  	[sflag:s12] =	ssyncadd.s32 $0xFFFFFF80  }
0xd0: {  	_ =	swait.ge [sflag:s12], $0x80  }
0xd1: {  	[sflag:s12] =	ssyncset.done $0x0  }
0xd2: {  	s1 =	rddreg [dreg:$0x11];
	[sflag:s12] =	ssyncadd.s32 $0xFFFFFF80  }
0xd3: {  	[hbm4b:s1+s2] =	stream.linear.scatter [tilespmem:s10], [sflag:$0xB], $0x1000, $0x38;
	[tilespmem:$0x11400] =	vst v63  }
0xd4: {  	_ =	swait.ge [sflag:s11], $0x1000  }
0xd5: {  	[sflag:s11] =	ssyncset.done $0x0  }
0xd6: {  	s1 =	rddreg [dreg:$0x12];
	[sflag:s11] =	ssyncadd.s32 $0xFFFFF000  }
0xd7: {  	[hbm4b:s1+s2] =	stream.linear.scatter [tilespmem:s9], [sflag:$0xB], $0x20, $0x38;
	[tilespmem:$0x11400] =	vst v63  }
0xd8: {  	_ =	swait.ge [sflag:s11], $0x20  }
0xd9: {  	[sflag:s11] =	ssyncset.done $0x0  }
0xda: {  	s1 =	rddreg [dreg:$0x13];
	[sflag:s11] =	ssyncadd.s32 $0xFFFFFFE0  }
0xdb: {  	[hbm4b:s1+s2] =	stream.linear.scatter [tilespmem:s8], [sflag:$0xB], $0x80, $0x38;
	[tilespmem:$0x11400] =	vst v63  }
0xdc: {  	p1 =	sne.s32 s0, $0x1;
	_ =	swait.ge [sflag:s11], $0x80  }
.Ltmp2:
0xdd: {  	[sflag:s11] =	ssyncset.done $0x0;
	(pc) =	sbr.rel @p1 .LBB2_2-.Ltmp2, $4  }
0xde: {  	[sflag:s11] =	ssyncadd.s32 $0xFFFFFF80  }
0xdf: {  	[hbm4b:s3+s2] =	stream.linear.scatter [tilespmem:s6], [sflag:$0xB], $0x80, $0x38;
	[tilespmem:$0x11400] =	vst v63  }
0xe0: {  	_ =	swait.ge [sflag:s11], $0x80  }
0xe1: {  	s0 =	sadd.s32 $0xFFFFFFFF, s0;
	s1 =	rddreg [dreg:$0x8];
	[sflag:s11] =	ssyncset.done $0x0  }
.LBB2_3:
0xe2: {  	[sflag:s11] =	ssyncadd.s32 @p0 $0xFFFFFF80  }
0xe3: {  	[tilespmem:s2], [sflag:$0x1] =	stream.linear.gather [hbm4b:s1+s2], $0x80, $0x38;
	[tilespmem:$0x11400] =	vst v63  }
0xe4: {  	s0 =	rddreg [dreg:$0x9]  }
0xe5: {  	[tilespmem:s20], [sflag:$0x1] =	stream.linear.gather [hbm4b:s0+s2], $0x80, $0x38;
	[tilespmem:$0x11400] =	vst v63  }
0xe6: {  	s1 =	rddreg [dreg:$0xa]  }
0xe7: {  	[tilespmem:s21], [sflag:$0x1] =	stream.linear.gather [hbm4b:s1+s2], $0x80, $0x38;
	[tilespmem:$0x11400] =	vst v63  }
0xe8: {  	s0 =	rddreg [dreg:$0xb]  }
0xe9: {  	[tilespmem:s23], [sflag:$0x1] =	stream.linear.gather [hbm4b:s0+s2], $0x80, $0x38;
	[tilespmem:$0x11400] =	vst v63  }
0xea: {  	s1 =	rddreg [dreg:$0xc]  }
0xeb: {  	[tilespmem:s28], [sflag:$0x1] =	stream.linear.gather [hbm4b:s1+s2], $0x20, $0x38;
	[tilespmem:$0x11400] =	vst v63  }
0xec: {  	_ =	swait.ge [sflag:s31], $0x80  }
0xed: {  	[sflag:s31] =	ssyncset.done $0x0  }
0xee: {  	[sflag:s31] =	ssyncadd.s32 $0xFFFFFF80  }
0xef: {  	_ =	swait.ge [sflag:s31], $0x80  }
0xf0: {  	[sflag:s31] =	ssyncset.done $0x0  }
0xf1: {  	[sflag:s31] =	ssyncadd.s32 $0xFFFFFF80  }
0xf2: {  	_ =	swait.ge [sflag:s31], $0x80  }
0xf3: {  	[sflag:s31] =	ssyncset.done $0x0  }
0xf4: {  	[sflag:s31] =	ssyncadd.s32 $0xFFFFFF80  }
0xf5: {  	_ =	swait.ge [sflag:s31], $0x80  }
0xf6: {  	[sflag:s31] =	ssyncset.done $0x0  }
0xf7: {  	[sflag:s31] =	ssyncadd.s32 $0xFFFFFF80  }
0xf8: {  	_ =	swait.ge [sflag:s31], $0x20  }
0xf9: {  	[sflag:s31] =	ssyncset.done $0x0  }
0xfa: {  	[sflag:s31] =	ssyncadd.s32 $0xFFFFFFE0  }
0xfb: {  	[tilespmem:s10], [sflag:$0xA] =	stream.indirect.gather [hbm4b:s4+s30], $0x80, s28, s30, $0xb8;
	[tilespmem:$0x11400] =	vst v63  }
0xfc: {  	_ = 	snop  }
0xfd: {  	[tilespmem:s9], [sflag:$0xA] =	stream.indirect.gather [hbm4b:s7+s30], $0x1, s28, s30, $0xb8;
	[tilespmem:$0x11400] =	vst v63  }
0xfe: {  	_ = 	snop  }
0xff: {  	[tilespmem:s8], [sflag:$0xA] =	stream.indirect.gather [hbm4b:s7+s21], $0x1, s20, s21, $0xb8;
	[tilespmem:$0x11400] =	vst v63  }
0x100: {  	_ = 	snop  }
0x101: {  	[tilespmem:s6], [sflag:$0xA] =	stream.indirect.gather [hbm4b:s7+s21], $0x1, s23, s21, $0xb8;
	[tilespmem:$0x11400] =	vst v63  }
0x102: {  	_ = 	snop  }
0x103: {  	[tilespmem:s25], [sflag:$0x2] =	stream.indirect.gather [hbm4b:s5+s21], $0x80, s2, s21, $0xb8;
	[tilespmem:$0x11400] =	vst v63  }
0x104: {  	_ = 	snop  }
0x105: {  	[tilespmem:s22], [sflag:$0x3] =	stream.indirect.gather [hbm4b:s5+s21], $0x80, s21, s21, $0xb8;
	[tilespmem:$0x11400] =	vst v63  }
0x106: {  	_ = 	snop  }
0x107: {  	[tilespmem:s17], [sflag:$0x4] =	stream.indirect.gather [hbm4b:s4+s21], $0x80, s20, s21, $0xb8;
	[tilespmem:$0x11400] =	vst v63  }
0x108: {  	_ = 	snop  }
0x109: {  	[tilespmem:s14], [sflag:$0x5] =	stream.indirect.gather [hbm4b:s4+s21], $0x80, s23, s21, $0xb8;
	[tilespmem:$0x11400] =	vst v63  }
0x10a: {  	_ =	swait.ge [sflag:s29], $0x4000  }
0x10b: {  	[sflag:s29] =	ssyncset.done $0x0  }
0x10c: {  	s21 =	rddreg [dreg:$0xd];
	[sflag:s29] =	ssyncadd.s32 $0xFFFFC000  }
0x10d: {  	[hbm4b:s21+s2] =	stream.linear.scatter [tilespmem:s25], [sflag:$0x6], $0x4000, $0x38;
	[tilespmem:$0x11400] =	vst v63  }
0x10e: {  	_ =	swait.ge [sflag:s26], $0x4000  }
0x10f: {  	[sflag:s26] =	ssyncset.done $0x0  }
0x110: {  	s23 =	rddreg [dreg:$0xe];
	[sflag:s26] =	ssyncadd.s32 $0xFFFFC000  }
0x111: {  	[hbm4b:s23+s2] =	stream.linear.scatter [tilespmem:s22], [sflag:$0x7], $0x4000, $0x38;
	[tilespmem:$0x11400] =	vst v63  }
0x112: {  	_ =	swait.ge [sflag:s24], $0x4000  }
0x113: {  	[sflag:s24] =	ssyncset.done $0x0  }
0x114: {  	s25 =	rddreg [dreg:$0xf];
	[sflag:s24] =	ssyncadd.s32 $0xFFFFC000  }
0x115: {  	[hbm4b:s25+s2] =	stream.linear.scatter [tilespmem:s17], [sflag:$0x8], $0x4000, $0x38;
	[tilespmem:$0x11400] =	vst v63  }
0x116: {  	_ =	swait.ge [sflag:s18], $0x4000  }
0x117: {  	[sflag:s18] =	ssyncset.done $0x0  }
0x118: {  	s26 =	rddreg [dreg:$0x10];
	[sflag:s18] =	ssyncadd.s32 $0xFFFFC000  }
0x119: {  	[hbm4b:s26+s2] =	stream.linear.scatter [tilespmem:s14], [sflag:$0x9], $0x4000, $0x38;
	[tilespmem:$0x11400] =	vst v63  }
0x11a: {  	_ =	swait.ge [sflag:s19], $0x4000  }
0x11b: {  	[sflag:s19] =	ssyncset.done $0x0  }
0x11c: {  	[sflag:s19] =	ssyncadd.s32 $0xFFFFC000  }
0x11d: {  	_ =	swait.ge [sflag:s16], $0x4000  }
0x11e: {  	[sflag:s16] =	ssyncset.done $0x0  }
0x11f: {  	[sflag:s16] =	ssyncadd.s32 $0xFFFFC000  }
0x120: {  	_ =	swait.ge [sflag:s15], $0x4000  }
0x121: {  	[sflag:s15] =	ssyncset.done $0x0  }
0x122: {  	[sflag:s15] =	ssyncadd.s32 $0xFFFFC000  }
0x123: {  	_ =	swait.ge [sflag:s13], $0x4000  }
0x124: {  	[sflag:s13] =	ssyncset.done $0x0  }
0x125: {  	[sflag:s13] =	ssyncadd.s32 $0xFFFFC000  }
0x126: {  	_ =	swait.ge [sflag:s12], $0x1000  }
0x127: {  	[sflag:s12] =	ssyncset.done $0x0  }
0x128: {  	[sflag:s12] =	ssyncadd.s32 $0xFFFFF000  }
0x129: {  	_ =	swait.ge [sflag:s12], $0x20  }
0x12a: {  	[sflag:s12] =	ssyncset.done $0x0  }
0x12b: {  	[sflag:s12] =	ssyncadd.s32 $0xFFFFFFE0  }
0x12c: {  	_ =	swait.ge [sflag:s12], $0x80  }
0x12d: {  	[sflag:s12] =	ssyncset.done $0x0  }
0x12e: {  	[sflag:s12] =	ssyncadd.s32 $0xFFFFFF80  }
0x12f: {  	_ =	swait.ge [sflag:s12], $0x80  }
0x130: {  	[sflag:s12] =	ssyncset.done $0x0  }
0x131: {  	s28 =	rddreg [dreg:$0x11];
	[sflag:s12] =	ssyncadd.s32 $0xFFFFFF80  }
0x132: {  	[hbm4b:s28+s2] =	stream.linear.scatter [tilespmem:s10], [sflag:$0xB], $0x1000, $0x38;
	[tilespmem:$0x11400] =	vst v63  }
0x133: {  	_ =	swait.ge [sflag:s11], $0x1000  }
0x134: {  	[sflag:s11] =	ssyncset.done $0x0  }
0x135: {  	s29 =	rddreg [dreg:$0x12];
	[sflag:s11] =	ssyncadd.s32 $0xFFFFF000  }
0x136: {  	[hbm4b:s29+s2] =	stream.linear.scatter [tilespmem:s9], [sflag:$0xB], $0x20, $0x38;
	[tilespmem:$0x11400] =	vst v63  }
0x137: {  	_ =	swait.ge [sflag:s11], $0x20  }
0x138: {  	[sflag:s11] =	ssyncset.done $0x0  }
0x139: {  	s30 =	rddreg [dreg:$0x13];
	[sflag:s11] =	ssyncadd.s32 $0xFFFFFFE0  }
0x13a: {  	[hbm4b:s30+s2] =	stream.linear.scatter [tilespmem:s8], [sflag:$0xB], $0x80, $0x38;
	[tilespmem:$0x11400] =	vst v63  }
0x13b: {  	_ =	swait.ge [sflag:s11], $0x80  }
0x13c: {  	[sflag:s11] =	ssyncset.done $0x0  }
0x13d: {  	[sflag:s11] =	ssyncadd.s32 $0xFFFFFF80  }
0x13e: {  	[hbm4b:s3+s2] =	stream.linear.scatter [tilespmem:s6], [sflag:$0xB], $0x80, $0x38;
	[tilespmem:$0x11400] =	vst v63  }
0x13f: {  	_ =	swait.ge [sflag:s11], $0x80  }
0x140: {  	[sflag:s11] =	ssyncset.done $0x0  }
0x141: {  	[sflag:s11] =	ssyncadd.s32 $0xFFFFFF80  }
0x142: {  	_ =	sfence.sel $0x180000  }
0x143: {  	[bflag:$0x0] =	sbarrier.arrive $0xFFFF  }
0x144: {  	_ =	strace $0x90000047  }
0x145: {  	s31 =	stileid.u32;
	[bflag:$0x2] =	sbarrier.arrive $0xFFFF  }
0x146: {  	p0 =	sne.s32 s31, $0x0;
	s0 =	rddreg [dreg:$0x7]  }
0x147: {  	s0 =	sadd.s32 @!p0 $0x100000, s0  }
0x148: {  	[sflag:s0] =	ssyncadd.tile.s32 @!p0 $0x1;
	_ =	shalt  }
.Lfunc_end2:
_tile_overlayer_lowered:
.L_overlay_start_2:
0x149: {  	(tag) =	ssettag $0x2  }
0x14a: {  	s0 =	rddreg [dreg:$0x0];
	s2 =	stileid.u32  }
0x14b: {  	s1 =	rddreg [dreg:$0x1];
	p0 =	sne.s32 s2, $0x0  }
0x14c: {  	s3 =	rddreg [dreg:$0x2];
	[bflag:$0x3] =	sbarrier.arrive $0xFFFF;
	s2 =	simm.s32 @!p0 $0x1C0B  }
0x14d: {  	[timem:s3], [sflag:s2] =	dma.local @!p0 [hbm:s0], s1  }
0x14e: {  	s0 =	simm.s32 @!p0 $0xB  }
0x14f: {  	_ =	swait.ge @!p0 [sflag:s0], s1  }
0x150: {  	s1 =	ssub.s32 @!p0 $0x0, s1;
	[sflag:s0] =	ssyncset.done @!p0 $0x0  }
0x151: {  	[sflag:s0] =	ssyncadd.s32 @!p0 s1  }
0x152: {  	[bflag:$0x3] =	sbarrier.arrive $0xFFFF  }
0x153: {  	_ =	shalt  }

// kernel: kernel.9.cloned.1.call-start
scs
__scs_entry_jumppad:
0x0: {  	(pc) =	sbr.rel $0x88, $3  }
0x1: {  	(tag) =	ssettag $0x0;
	lr =	simm.s32 $0x1  }
0x2: {  	[smem:$0x3F9B] =	sst lr;
	_ =	strace $0xD0000000  }
0x3: {  	_ = 	snop  }
0x4: {  	_ = 	snop  }
0x5: {  	_ = 	snop  }
0x6: {  	_ = 	snop  }
0x7: {  	_ = 	snop  }
__scs_overlays_trampoline_lowered:
0x8: {  	[smem:$0x3FAA] =	sst s0  }
0x9: {  	[smem:$0x3FAB] =	sst s1  }
0xa: {  	[smem:$0x3FAC] =	sst s2  }
0xb: {  	[smem:$0x3FAD] =	sst s3  }
0xc: {  	[smem:$0x3FAE] =	sst s4  }
0xd: {  	[smem:$0x3FAF] =	sst s5  }
0xe: {  	[smem:$0x3FB0] =	sst s6  }
0xf: {  	[smem:$0x3FB1] =	sst s7  }
0x10: {  	[smem:$0x3FB2] =	sst s8  }
0x11: {  	[smem:$0x3FB3] =	sst s9;
	s0 =	simm.s32 @!p0 $0x0  }
0x12: {  	s1 =	sld [smem:$0x3F99];
	s0 =	simm.s32 @p0 $0x1  }
0x13: {  	[smem:$0x3FB4] =	sst s0;
	s0 =	simm.s32 @!p1 $0x0  }
0x14: {  	s2 =	sld [smem:$0x3F98];
	s0 =	simm.s32 @p1 $0x1  }
0x15: {  	[smem:$0x3FB5] =	sst s0;
	s0 =	simm.s32 @!p2 $0x0  }
0x16: {  	s3 =	sld [smem:$0x3FDB];
	s0 =	simm.s32 @p2 $0x1  }
0x17: {  	s4 =	simm.s32 $0x1BF5;
	[smem:$0x3FB7] =	sst s0  }
0x18: {  	s0 =	sld [smem:$0x3F9A];
	_ =	swait.ge [sflag:s4], $0x0  }
0x19: {  	s7 =	sld [smem:$0x3F9B]  }
0x1a: {  	s8 =	sadd.s32 $0xFFFFE003, lr  }
0x1b: {  	s9 =	sadd.s32 $0xFFFFFEF7, lr;
	s5 =	simm.s32 $0xFFFFFFFF;
	p2 =	slt.u32 s8, $0xFFFFF086  }
0x1c: {  	p1 =	slt.u32 s9, $0xF7A;
	s5 =	simm.s32 @!p2 $0x0  }
0x1d: {  	s5 =	simm.s32 @p1 $0x1;
	p0 =	seq.s32 s7, s2  }
0x1e: {  	s7 =	smul.u32 @!p0 $0xF7A, s2;
	p2 =	seq.s32 @!p0 s5, $0x0  }
0x1f: {  	s9 =	smul.u32 $0xF7A, s1;
	s8 =	simm.s32 @!p0 $0x1BF5;
	p2 =	por !p2, p0  }
0x20: {  	[sflag:s8] =	ssyncset.s32 @!p0 $0xFFFFF086;
	s6 =	sadd.s32 @!p0 s3, s7;
	s7 =	simm.s32 @!p0 $0x108  }
0x21: {  	s3 =	sadd.s32 s3, s9;
	s6 =	sadd.s32 @!p0 $0x88, s6;
	s7 =	simm.s32 @p2 $0x1082  }
0x22: {  	[simem:s7], [sflag:s8] =	dma.local @!p0 [hbm:s6], $0xF7A  }
0x23: {  	s9 =	sor.u32 $0xD0000000, s2;
	s6 =	simm.s32 $0x108;
	_ =	swait.ge @!p0 [sflag:s8], $0x0  }
0x24: {  	s3 =	sadd.s32 $0x88, s3;
	s6 =	simm.s32 @!p1 $0x1082;
	[sflag:s4] =	ssyncset.s32 $0xFFFFF086  }
0x25: {  	[simem:s6], [sflag:s4] =	dma.local [hbm:s3], $0xF7A  }
0x26: {  	[smem:$0x3F9B] =	sst s1;
	(tag) =	ssettag s2;
	_ =	strace s9  }
0x27: {  	s1 =	sld [smem:$0x3FAB]  }
0x28: {  	s2 =	sld [smem:$0x3FAC]  }
0x29: {  	s4 =	sld [smem:$0x3FAE]  }
0x2a: {  	p0 =	seq.s32 s5, $0x0;
	s5 =	sld [smem:$0x3FAF]  }
0x2b: {  	s6 =	sld [smem:$0x3FB0]  }
0x2c: {  	s7 =	sld [smem:$0x3FB1]  }
0x2d: {  	s3 =	simm.s32 $0x108;
	s8 =	sld [smem:$0x3FB2]  }
0x2e: {  	s3 =	simm.s32 @!p0 $0x1082;
	s9 =	sld [smem:$0x3FB3]  }
0x2f: {  	lr =	sadd.s32 s0, s3;
	s0 =	sld [smem:$0x3FAA]  }
0x30: {  	s3 =	sld [smem:$0x3FAD]  }
0x31: {  	[smem:$0x3FB6] =	sst s10  }
0x32: {  	s10 =	sld [smem:$0x3FB4];
	_ =	sdelay $0x3  }
0x33: {  	p0 =	seq.s32 s10, $0x1;
	s10 =	sld [smem:$0x3FB6];
	_ =	sdelay $0x3  }
0x34: {  	[smem:$0x3FB6] =	sst s10  }
0x35: {  	s10 =	sld [smem:$0x3FB5];
	_ =	sdelay $0x3  }
0x36: {  	p1 =	seq.s32 s10, $0x1;
	s10 =	sld [smem:$0x3FB6];
	_ =	sdelay $0x3  }
0x37: {  	[smem:$0x3FB6] =	sst s10  }
0x38: {  	s10 =	sld [smem:$0x3FB7]  }
0x39: {  	_ = 	snop;
	(pc) =	sbr.ind lr, $3  }
0x3a: {  	_ = 	snop  }
0x3b: {  	_ = 	snop  }
0x3c: {  	p2 =	seq.s32 s10, $0x1;
	s10 =	sld [smem:$0x3FB6]  }
0x3d: {  	_ =	shalt  }
0x3e: {  	_ =	shalt  }
0x3f: {  	_ =	shalt  }
0x40: {  	_ =	shalt  }
0x41: {  	_ =	shalt  }
0x42: {  	_ =	shalt  }
0x43: {  	_ =	shalt  }
0x44: {  	_ =	shalt  }
0x45: {  	_ =	shalt  }
0x46: {  	_ =	shalt  }
0x47: {  	_ =	shalt  }
0x48: {  	_ =	shalt  }
0x49: {  	_ =	shalt  }
0x4a: {  	_ =	shalt  }
0x4b: {  	_ =	shalt  }
0x4c: {  	_ =	shalt  }
0x4d: {  	_ =	shalt  }
0x4e: {  	_ =	shalt  }
0x4f: {  	_ =	shalt  }
0x50: {  	_ =	shalt  }
0x51: {  	_ =	shalt  }
0x52: {  	_ =	shalt  }
0x53: {  	_ =	shalt  }
0x54: {  	_ =	shalt  }
0x55: {  	_ =	shalt  }
0x56: {  	_ =	shalt  }
0x57: {  	_ =	shalt  }
0x58: {  	_ =	shalt  }
0x59: {  	_ =	shalt  }
0x5a: {  	_ =	shalt  }
0x5b: {  	_ =	shalt  }
0x5c: {  	_ =	shalt  }
0x5d: {  	_ =	shalt  }
0x5e: {  	_ =	shalt  }
0x5f: {  	_ =	shalt  }
0x60: {  	_ =	shalt  }
0x61: {  	_ =	shalt  }
0x62: {  	_ =	shalt  }
0x63: {  	_ =	shalt  }
0x64: {  	_ =	shalt  }
0x65: {  	_ =	shalt  }
0x66: {  	_ =	shalt  }
0x67: {  	_ =	shalt  }
0x68: {  	_ =	shalt  }
0x69: {  	_ =	shalt  }
0x6a: {  	_ =	shalt  }
0x6b: {  	_ =	shalt  }
0x6c: {  	_ =	shalt  }
0x6d: {  	_ =	shalt  }
0x6e: {  	_ =	shalt  }
0x6f: {  	_ =	shalt  }
0x70: {  	_ =	shalt  }
0x71: {  	_ =	shalt  }
0x72: {  	_ =	shalt  }
0x73: {  	_ =	shalt  }
0x74: {  	_ =	shalt  }
0x75: {  	_ =	shalt  }
0x76: {  	_ =	shalt  }
0x77: {  	_ =	shalt  }
0x78: {  	_ =	shalt  }
0x79: {  	_ =	shalt  }
0x7a: {  	_ =	shalt  }
0x7b: {  	_ =	shalt  }
0x7c: {  	_ =	shalt  }
0x7d: {  	_ =	shalt  }
0x7e: {  	_ =	shalt  }
0x7f: {  	_ =	shalt  }
0x80: {  	_ =	shalt  }
0x81: {  	_ =	shalt  }
0x82: {  	_ =	shalt  }
0x83: {  	_ =	shalt  }
0x84: {  	_ =	shalt  }
0x85: {  	_ =	shalt  }
0x86: {  	_ =	shalt  }
0x87: {  	_ =	shalt  }
.Lfunc_end0:
.L_simem_size_0:
called_computation.1_lowered:
.L_overlay_start_0:
0x88: {  	s2 =	sld [smem:$0x3FD9]  }
0x89: {  	s3 =	sld [smem:$0x3FFE];
	_ =	sdelay $0x1  }
0x8a: {  	s1 =	srdreg.scid  }
0x8b: {  	s0 =	sand.u32 $0x1, s1  }
0x8c: {  	s17 =	sshll.u32 s0, $0xA;
	s2 =	sadd.s32 s3, s2  }
0x8d: {  	s2 =	sadd.s32 s2, s17  }
0x8e: {  	[smem:$0x3FC2] =	sst s2  }
0x8f: {  	_ = 	snop  }
0x90: {  	s18 =	sld [smem:$0x3FC9]  }
0x91: {  	s4 =	sld [smem:$0x3FC8]  }
0x92: {  	s5 =	sld [smem:$0x3FC6]  }
0x93: {  	s6 =	sld [smem:$0x3FC5]  }
0x94: {  	s7 =	sld [smem:$0x3FC4];
	(tm) =	ssettm $0x1  }
0x95: {  	s19 =	sld [smem:$0x3FFB];
	_ =	sdelay $0x3  }
0x96: {  	_ =	strace s19  }
0x97: {  	s2 =	sld [smem:$0x3FFC];
	_ =	sdelay $0x3  }
0x98: {  	_ =	strace s2  }
0x99: {  	s2 =	sld [smem:$0x3FFD];
	_ =	sdelay $0x3  }
0x9a: {  	_ =	strace s2  }
0x9b: {  	_ =	strace $0x8FFFFFFF  }
0x9c: {  	s20 =	sld [smem:$0x3FDB];
	_ =	sdelay $0x1  }
0x9d: {  	s8 =	simm.s32 $_scs_section_size  }
0x9e: {  	s9 =	simm.s32 $_size__tile_overlayer_lowered;
	s10 =	simm.s32 $_tile_overlayer_lowered  }
0x9f: {  	s11 =	simm.s32 $0x1BFF;
	s21 =	sshll.u32 s10, $0x1;
	s8 =	sadd.s32 s8, s20  }
0xa0: {  	s22 =	simm.s32 $0x0;
	s9 =	sshll.u32 s9, $0x1;
	s10 =	sadd.s32 s21, s8  }
0xa1: {  	[timem:s22], [sflag:s11] =	dma.local [hbm:s10], s9  }
0xa2: {  	_ =	swait.ge [sflag:s11], s9  }
0xa3: {  	s9 =	ssub.s32 $0x0, s9;
	[sflag:s11] =	ssyncset.done $0x0  }
0xa4: {  	[sflag:s11] =	ssyncadd.s32 s9;
	_ =	sdelay $0x1  }
0xa5: {  	s23 =	simm.s32 $0x1B8B  }
0xa6: {  	_ =	swait.ge [sflag:s23], $0x1  }
0xa7: {  	[sflag:s23] =	ssyncset.done $0x0  }
0xa8: {  	[sflag:s23] =	ssyncadd.s32 $0xFFFFFFFF  }
0xa9: {  	s9 =	sld [smem:$0x0]  }
0xaa: {  	s10 =	sand.u32 $0xFFFFFFFE, s1  }
0xab: {  	p0 =	sne.s32 s1, s10  }
0xac: {  	s10 =	sshll.u32 @p0 s10, $0xE  }
0xad: {  	s10 =	sadd.s32 @p0 $0x11B8D, s10;
	s11 =	sshll.u32 @p0 s9, $0x11  }
0xae: {  	s10 =	sor.u32 @p0 s11, s10  }
0xaf: {  	[sflag:s10] =	ssyncadd.remote.s32 @p0 $0x1;
	_ =	sdelay $0x1  }
0xb0: {  	s10 =	simm.s32 @p0 $0x1B8D  }
0xb1: {  	_ =	swait.eq @p0 [sflag:s10], $0x1  }
0xb2: {  	[sflag:s10] =	ssyncadd.s32 @p0 $0xFFFFFFFF  }
0xb3: {  	s11 =	sshll.u32 @!p0 s1, $0xE  }
0xb4: {  	s11 =	sor.u32 @!p0 $0x4000, s11;
	s10 =	simm.s32 @!p0 $0x1B8D  }
0xb5: {  	s9 =	sshll.u32 @!p0 s9, $0x11;
	s11 =	sadd.s32 @!p0 $0x11B8D, s11;
	_ =	swait.eq @!p0 [sflag:s10], $0x1  }
0xb6: {  	s9 =	sor.u32 @!p0 s9, s11;
	[sflag:s10] =	ssyncadd.s32 @!p0 $0xFFFFFFFF  }
0xb7: {  	s25 =	simm.s32 $0x1B8E;
	s24 =	sld [smem:$0x3FFE];
	[sflag:s9] =	ssyncadd.remote.s32 @!p0 $0x1  }
0xb8: {  	s26 =	simm.s32 $execute0_lowered;
	[smem:$0x3FD2] =	sst s25  }
0xb9: {  	s10 =	sshll.u32 s26, $0x1;
	_ =	strace $0x80000049;
	[dreg:$0x1] =	wrdreg $0xFFFFFFFF  }
0xba: {  	s28 =	simm.s32 $_size_execute0_lowered;
	s8 =	sadd.s32 s8, s10;
	[dreg:$0x0] =	wrdreg $0x0  }
0xbb: {  	s10 =	sshll.u32 s28, $0x1;
	[dreg:$0x2] =	wrdreg s8  }
0xbc: {  	[dreg:$0x3] =	wrdreg s10  }
0xbd: {  	[dreg:$0x4] =	wrdreg $0xC0  }
0xbe: {  	_ =	task [dreg:s22], $0x5FFFF  }
0xbf: {  	[dreg:$0x1] =	wrdreg $0xFFFFFFFF  }
0xc0: {  	[dreg:$0x0] =	wrdreg $0x60  }
0xc1: {  	[dreg:$0x2] =	wrdreg s18  }
0xc2: {  	[dreg:$0x3] =	wrdreg s4  }
0xc3: {  	[dreg:$0x4] =	wrdreg s5  }
0xc4: {  	[dreg:$0x5] =	wrdreg s6  }
0xc5: {  	[dreg:$0x6] =	wrdreg s7  }
0xc6: {  	[dreg:$0x7] =	wrdreg s24  }
0xc7: {  	[dreg:$0x8] =	wrdreg $0xA  }
0xc8: {  	_ =	task.clear_ibuf [dreg:s22], $0x9FFFF;
	_ =	strace $0x90000049  }
0xc9: {  	s29 =	simm.s32 $0xA;
	_ =	strace $0x8000004B  }
0xca: {  	_ =	swait.ge [sflag:s29], $0x1  }
0xcb: {  	[sflag:s29] =	ssyncadd.s32 $0xFFFFFFFF  }
0xcc: {  	_ =	strace $0x9000004B  }
0xcd: {  	_ =	sfence  }
0xce: {  	s30 =	sld [smem:$0x0];
	_ =	sdelay $0x2  }
0xcf: {  	s31 =	sshll.u32 s1, $0xD;
	s1 =	sshrl.u32 s1, $0x2  }
0xd0: {  	s4 =	sand.u32 $0x4000, s31;
	s1 =	sadd.s32 s1, s30  }
0xd1: {  	s0 =	sor.u32 s4, s0;
	s1 =	sshll.u32 s1, $0x11  }
0xd2: {  	s0 =	sor.u32 s1, s0  }
0xd3: {  	s0 =	sadd.s32 $0x8F2B, s0  }
0xd4: {  	[sflag:s0] =	ssyncadd.remote.s32 $0x1  }
0xd5: {  	_ =	sfence.sel $0xFFFF  }
0xd6: {  	[dreg:$0x0] =	wrdreg $0xFFFFFFFF;
	(pc) =	sbr.abs _section_cstart, $3  }
0xd7: {  	[dreg:$0x1] =	wrdreg $0xFFFFFFFF  }
0xd8: {  	_ =	task.clear_ibuf [dreg:s22], $0x2FFFF;
	_ =	strace $0x9FFFFFFF  }
0xd9: {  	(tm) =	ssettm $0x7FFFFFFF  }
tec
execute0_lowered:
.L_overlay_start_1:
0x0: {  	(tag) =	ssettag $0x1  }
0x1: {  	s0 =	rddreg [dreg:$0x0]  }
0x2: {  	s1 =	rddreg [dreg:$0x1]  }
0x3: {  	s6 =	rddreg [dreg:$0x2]  }
0x4: {  	s2 =	srdreg.scid;
	s8 =	rddreg [dreg:$0x4]  }
0x5: {  	s3 =	stileid.u32;
	s5 =	rddreg [dreg:$0x5];
	s24 =	simm.s32 $0x100  }
0x6: {  	s25 =	simm.s32 $0x80;
	s28 =	simm.s32 $0x180;
	s31 =	simm.s32 $0x1  }
0x7: {  	s26 =	simm.s32 $0x200;
	s22 =	simm.s32 $0x4200;
	s30 =	simm.s32 $0x2  }
0x8: {  	s29 =	simm.s32 $0x3;
	s23 =	simm.s32 $0x4;
	p0 =	por $0x0, $0x0  }
0x9: {  	s13 =	sand.u32 $0x1, s2;
	s7 =	sshll.u32 s3, $0x9;
	s2 =	simm.s32 $0x0  }
0xa: {  	s11 =	sadd.s32 $0x46A00, s5;
	s14 =	sadd.s32 $0x66A00, s5;
	s9 =	sshll.u32 s13, $0x8  }
0xb: {  	s15 =	sadd.s32 $0x86A00, s5;
	[smem:$0x7FF] =	sst s2;
	s7 =	sor.u32 s9, s7  }
0xc: {  	s13 =	ssub.s32 $0x2, s13;
	_ =	strace $0x8000004A;
	s9 =	sshrl.u32 s7, $0x3  }
0xd: {  	s17 =	sshll.u32 s7, $0x4;
	s7 =	sor.u32 $0x80, s7;
	s10 =	sor.u32 $0x400, s9  }
0xe: {  	s4 =	sor.u32 $0x410, s9;
	s18 =	sadd.s32 s11, s17;
	s19 =	sshll.u32 s7, $0x4  }
0xf: {  	s20 =	sshrl.u32 s7, $0x3;
	s7 =	sadd.s32 s15, s9;
	s9 =	simm.s32 $0x10280  }
0x10: {  	s12 =	sadd.s32 s0, s10;
	s10 =	sadd.s32 s1, s10;
	s0 =	sadd.s32 s0, s4  }
0x11: {  	s16 =	sadd.s32 s1, s4;
	[dreg:$0x8] =	wrdreg s10;
	s10 =	sshrl.u32 s13, $0x1  }
0x12: {  	[dreg:$0xb] =	wrdreg s18;
	s5 =	sadd.s32 s15, s20;
	s4 =	ssub.s32 s13, s10  }
0x13: {  	s18 =	simm.s32 $0x8200;
	[dreg:$0x7] =	wrdreg s12;
	s21 =	smax.u32 s4, $0x1  }
0x14: {  	s20 =	simm.s32 $0x5;
	[dreg:$0x9] =	wrdreg s0;
	p1 =	sne.s32 s21, $0x1  }
.Ltmp0:
0x15: {  	s15 =	simm.s32 $0x9;
	[dreg:$0xa] =	wrdreg s16;
	(pc) =	sbr.rel @!p1 .LBB2_1-.Ltmp0, $4  }
0x16: {  	s16 =	sadd.s32 s11, s19;
	s12 =	sadd.s32 s14, s19;
	s19 =	simm.s32 $0x7  }
0x17: {  	s11 =	simm.s32 $0xB;
	s13 =	sadd.s32 s14, s17;
	s10 =	simm.s32 $0x10200  }
0x18: {  	s17 =	simm.s32 $0x8;
	s14 =	simm.s32 $0xA;
	s0 =	rddreg [dreg:$0x7]  }
0x19: {  	s4 =	simm.s32 $0xC200;
	s1 =	sadd.s32 $0xFFFFFFFF, s21;
	s21 =	simm.s32 $0x6  }
0x1a: {  	[tilespmem:s2], [sflag:$0x1] =	stream.linear.gather [hbm4b:s0+s2], $0x80, $0x38;
	[tilespmem:$0x10300] =	vst v63  }
0x1b: {  	s3 =	smov.u32 s1;
	s1 =	rddreg [dreg:$0x8]  }
0x1c: {  	[tilespmem:s24], [sflag:$0x1] =	stream.linear.gather [hbm4b:s1+s2], $0x80, $0x38;
	[tilespmem:$0x10300] =	vst v63  }
0x1d: {  	s0 =	rddreg [dreg:$0x9]  }
0x1e: {  	[tilespmem:s25], [sflag:$0x1] =	stream.linear.gather [hbm4b:s0+s2], $0x80, $0x38;
	[tilespmem:$0x10300] =	vst v63  }
0x1f: {  	s1 =	rddreg [dreg:$0xa]  }
0x20: {  	[tilespmem:s28], [sflag:$0x1] =	stream.linear.gather [hbm4b:s1+s2], $0x80, $0x38;
	[tilespmem:$0x10300] =	vst v63  }
0x21: {  	_ =	swait.ge [sflag:s31], $0x80  }
0x22: {  	[sflag:s31] =	ssyncset.done $0x0  }
0x23: {  	[sflag:s31] =	ssyncadd.s32 $0xFFFFFF80  }
0x24: {  	_ =	swait.ge [sflag:s31], $0x80  }
0x25: {  	[sflag:s31] =	ssyncset.done $0x0  }
0x26: {  	[sflag:s31] =	ssyncadd.s32 $0xFFFFFF80  }
0x27: {  	_ =	swait.ge [sflag:s31], $0x80  }
0x28: {  	[sflag:s31] =	ssyncset.done $0x0  }
0x29: {  	[sflag:s31] =	ssyncadd.s32 $0xFFFFFF80  }
0x2a: {  	_ =	swait.ge [sflag:s31], $0x80  }
0x2b: {  	[sflag:s31] =	ssyncset.done $0x0  }
0x2c: {  	[sflag:s31] =	ssyncadd.s32 $0xFFFFFF80  }
0x2d: {  	[tilespmem:s10], [sflag:$0xA] =	stream.indirect.gather [hbm4b:s8+s25], $0x1, s24, s25, $0xb8;
	[tilespmem:$0x10300] =	vst v63  }
0x2e: {  	_ = 	snop  }
0x2f: {  	[tilespmem:s9], [sflag:$0xA] =	stream.indirect.gather [hbm4b:s8+s25], $0x1, s28, s25, $0xb8;
	[tilespmem:$0x10300] =	vst v63  }
0x30: {  	_ = 	snop  }
0x31: {  	[tilespmem:s26], [sflag:$0x2] =	stream.indirect.gather [hbm4b:s6+s25], $0x80, s2, s25, $0xb8;
	[tilespmem:$0x10300] =	vst v63  }
0x32: {  	_ = 	snop  }
0x33: {  	[tilespmem:s22], [sflag:$0x3] =	stream.indirect.gather [hbm4b:s6+s25], $0x80, s25, s25, $0xb8;
	[tilespmem:$0x10300] =	vst v63  }
0x34: {  	s1 =	rddreg [dreg:$0x3]  }
0x35: {  	[tilespmem:s18], [sflag:$0x4] =	stream.indirect.gather [hbm4b:s1+s25], $0x80, s24, s25, $0xb8;
	[tilespmem:$0x10300] =	vst v63  }
0x36: {  	_ = 	snop  }
0x37: {  	[tilespmem:s4], [sflag:$0x5] =	stream.indirect.gather [hbm4b:s1+s25], $0x80, s28, s25, $0xb8;
	[tilespmem:$0x10300] =	vst v63  }
0x38: {  	_ =	swait.ge [sflag:s30], $0x4000  }
0x39: {  	[sflag:s30] =	ssyncset.done $0x0  }
0x3a: {  	s1 =	rddreg [dreg:$0xb];
	[sflag:s30] =	ssyncadd.s32 $0xFFFFC000  }
0x3b: {  	[hbm4b:s1+s2] =	stream.linear.scatter [tilespmem:s26], [sflag:$0x6], $0x4000, $0x38;
	[tilespmem:$0x10300] =	vst v63  }
0x3c: {  	_ =	swait.ge [sflag:s29], $0x4000  }
0x3d: {  	[sflag:s29] =	ssyncset.done $0x0  }
0x3e: {  	[sflag:s29] =	ssyncadd.s32 $0xFFFFC000  }
0x3f: {  	[hbm4b:s16+s2] =	stream.linear.scatter [tilespmem:s22], [sflag:$0x7], $0x4000, $0x38;
	[tilespmem:$0x10300] =	vst v63  }
0x40: {  	_ =	swait.ge [sflag:s23], $0x4000  }
0x41: {  	[sflag:s23] =	ssyncset.done $0x0  }
0x42: {  	[sflag:s23] =	ssyncadd.s32 $0xFFFFC000  }
0x43: {  	[hbm4b:s13+s2] =	stream.linear.scatter [tilespmem:s18], [sflag:$0x8], $0x4000, $0x38;
	[tilespmem:$0x10300] =	vst v63  }
0x44: {  	_ =	swait.ge [sflag:s20], $0x4000  }
0x45: {  	[sflag:s20] =	ssyncset.done $0x0  }
0x46: {  	[sflag:s20] =	ssyncadd.s32 $0xFFFFC000  }
0x47: {  	[hbm4b:s12+s2] =	stream.linear.scatter [tilespmem:s4], [sflag:$0x9], $0x4000, $0x38;
	[tilespmem:$0x10300] =	vst v63  }
0x48: {  	_ =	swait.ge [sflag:s21], $0x4000  }
0x49: {  	[sflag:s21] =	ssyncset.done $0x0  }
0x4a: {  	[sflag:s21] =	ssyncadd.s32 $0xFFFFC000  }
0x4b: {  	_ =	swait.ge [sflag:s19], $0x4000  }
0x4c: {  	[sflag:s19] =	ssyncset.done $0x0  }
0x4d: {  	[sflag:s19] =	ssyncadd.s32 $0xFFFFC000  }
0x4e: {  	_ =	swait.ge [sflag:s17], $0x4000  }
0x4f: {  	[sflag:s17] =	ssyncset.done $0x0  }
0x50: {  	[sflag:s17] =	ssyncadd.s32 $0xFFFFC000  }
0x51: {  	_ =	swait.ge [sflag:s15], $0x4000  }
0x52: {  	[sflag:s15] =	ssyncset.done $0x0  }
0x53: {  	[sflag:s15] =	ssyncadd.s32 $0xFFFFC000  }
0x54: {  	_ =	swait.ge [sflag:s14], $0x80  }
0x55: {  	[sflag:s14] =	ssyncset.done $0x0  }
0x56: {  	[sflag:s14] =	ssyncadd.s32 $0xFFFFFF80  }
0x57: {  	_ =	swait.ge [sflag:s14], $0x80  }
0x58: {  	[sflag:s14] =	ssyncset.done $0x0  }
0x59: {  	[sflag:s14] =	ssyncadd.s32 $0xFFFFFF80  }
0x5a: {  	[hbm4b:s7+s2] =	stream.linear.scatter [tilespmem:s10], [sflag:$0xB], $0x80, $0x38;
	[tilespmem:$0x10300] =	vst v63  }
0x5b: {  	p1 =	sne.s32 s3, $0x1;
	_ =	swait.ge [sflag:s11], $0x80  }
.Ltmp1:
0x5c: {  	[sflag:s11] =	ssyncset.done $0x0;
	(pc) =	sbr.rel @!p1 .LBB2_3-.Ltmp1, $4  }
0x5d: {  	[sflag:s11] =	ssyncadd.s32 $0xFFFFFF80  }
0x5e: {  	[hbm4b:s5+s2] =	stream.linear.scatter [tilespmem:s9], [sflag:$0xB], $0x80, $0x38;
	[tilespmem:$0x10300] =	vst v63  }
0x5f: {  	p0 =	por $0x1, $0x1;
	_ =	swait.ge [sflag:s11], $0x80  }
0x60: {  	s1 =	sadd.s32 $0xFFFFFFFF, s3;
	s0 =	rddreg [dreg:$0x7];
	[sflag:s11] =	ssyncset.done $0x0  }
.LBB2_4:
0x61: {  	[sflag:s11] =	ssyncadd.s32 $0xFFFFFF80  }
0x62: {  	[tilespmem:s2], [sflag:$0x1] =	stream.linear.gather [hbm4b:s0+s2], $0x80, $0x38;
	[tilespmem:$0x10300] =	vst v63  }
0x63: {  	s3 =	rddreg [dreg:$0x8]  }
0x64: {  	[tilespmem:s24], [sflag:$0x1] =	stream.linear.gather [hbm4b:s3+s2], $0x80, $0x38;
	[tilespmem:$0x10300] =	vst v63  }
0x65: {  	s0 =	rddreg [dreg:$0x9]  }
0x66: {  	[tilespmem:s25], [sflag:$0x1] =	stream.linear.gather [hbm4b:s0+s2], $0x80, $0x38;
	[tilespmem:$0x10300] =	vst v63  }
0x67: {  	s3 =	rddreg [dreg:$0xa]  }
0x68: {  	[tilespmem:s28], [sflag:$0x1] =	stream.linear.gather [hbm4b:s3+s2], $0x80, $0x38;
	[tilespmem:$0x10300] =	vst v63  }
0x69: {  	_ =	swait.ge [sflag:s31], $0x80  }
0x6a: {  	[sflag:s31] =	ssyncset.done $0x0  }
0x6b: {  	[sflag:s31] =	ssyncadd.s32 $0xFFFFFF80  }
0x6c: {  	_ =	swait.ge [sflag:s31], $0x80  }
0x6d: {  	[sflag:s31] =	ssyncset.done $0x0  }
0x6e: {  	[sflag:s31] =	ssyncadd.s32 $0xFFFFFF80  }
0x6f: {  	_ =	swait.ge [sflag:s31], $0x80  }
0x70: {  	[sflag:s31] =	ssyncset.done $0x0  }
0x71: {  	[sflag:s31] =	ssyncadd.s32 $0xFFFFFF80  }
0x72: {  	_ =	swait.ge [sflag:s31], $0x80  }
0x73: {  	[sflag:s31] =	ssyncset.done $0x0  }
0x74: {  	[sflag:s31] =	ssyncadd.s32 $0xFFFFFF80  }
0x75: {  	[tilespmem:s10], [sflag:$0xA] =	stream.indirect.gather [hbm4b:s8+s25], $0x1, s24, s25, $0xb8;
	[tilespmem:$0x10300] =	vst v63  }
0x76: {  	_ = 	snop  }
0x77: {  	[tilespmem:s9], [sflag:$0xA] =	stream.indirect.gather [hbm4b:s8+s25], $0x1, s28, s25, $0xb8;
	[tilespmem:$0x10300] =	vst v63  }
0x78: {  	_ = 	snop  }
0x79: {  	[tilespmem:s26], [sflag:$0x2] =	stream.indirect.gather [hbm4b:s6+s25], $0x80, s2, s25, $0xb8;
	[tilespmem:$0x10300] =	vst v63  }
0x7a: {  	_ = 	snop  }
0x7b: {  	[tilespmem:s22], [sflag:$0x3] =	stream.indirect.gather [hbm4b:s6+s25], $0x80, s25, s25, $0xb8;
	[tilespmem:$0x10300] =	vst v63  }
0x7c: {  	s3 =	rddreg [dreg:$0x3]  }
0x7d: {  	[tilespmem:s18], [sflag:$0x4] =	stream.indirect.gather [hbm4b:s3+s25], $0x80, s24, s25, $0xb8;
	[tilespmem:$0x10300] =	vst v63  }
0x7e: {  	_ = 	snop  }
0x7f: {  	[tilespmem:s4], [sflag:$0x5] =	stream.indirect.gather [hbm4b:s3+s25], $0x80, s28, s25, $0xb8;
	[tilespmem:$0x10300] =	vst v63  }
0x80: {  	_ =	swait.ge [sflag:s30], $0x4000  }
0x81: {  	[sflag:s30] =	ssyncset.done $0x0  }
0x82: {  	s3 =	rddreg [dreg:$0xb];
	[sflag:s30] =	ssyncadd.s32 $0xFFFFC000  }
0x83: {  	[hbm4b:s3+s2] =	stream.linear.scatter [tilespmem:s26], [sflag:$0x6], $0x4000, $0x38;
	[tilespmem:$0x10300] =	vst v63  }
0x84: {  	_ =	swait.ge [sflag:s29], $0x4000  }
0x85: {  	[sflag:s29] =	ssyncset.done $0x0  }
0x86: {  	[sflag:s29] =	ssyncadd.s32 $0xFFFFC000  }
0x87: {  	[hbm4b:s16+s2] =	stream.linear.scatter [tilespmem:s22], [sflag:$0x7], $0x4000, $0x38;
	[tilespmem:$0x10300] =	vst v63  }
0x88: {  	_ =	swait.ge [sflag:s23], $0x4000  }
0x89: {  	[sflag:s23] =	ssyncset.done $0x0  }
0x8a: {  	[sflag:s23] =	ssyncadd.s32 $0xFFFFC000  }
0x8b: {  	[hbm4b:s13+s2] =	stream.linear.scatter [tilespmem:s18], [sflag:$0x8], $0x4000, $0x38;
	[tilespmem:$0x10300] =	vst v63  }
0x8c: {  	_ =	swait.ge [sflag:s20], $0x4000  }
0x8d: {  	[sflag:s20] =	ssyncset.done $0x0  }
0x8e: {  	[sflag:s20] =	ssyncadd.s32 $0xFFFFC000  }
0x8f: {  	[hbm4b:s12+s2] =	stream.linear.scatter [tilespmem:s4], [sflag:$0x9], $0x4000, $0x38;
	[tilespmem:$0x10300] =	vst v63  }
0x90: {  	_ =	swait.ge [sflag:s21], $0x4000  }
0x91: {  	[sflag:s21] =	ssyncset.done $0x0  }
0x92: {  	[sflag:s21] =	ssyncadd.s32 $0xFFFFC000  }
0x93: {  	_ =	swait.ge [sflag:s19], $0x4000  }
0x94: {  	[sflag:s19] =	ssyncset.done $0x0  }
0x95: {  	[sflag:s19] =	ssyncadd.s32 $0xFFFFC000  }
0x96: {  	_ =	swait.ge [sflag:s17], $0x4000  }
0x97: {  	[sflag:s17] =	ssyncset.done $0x0  }
0x98: {  	[sflag:s17] =	ssyncadd.s32 $0xFFFFC000  }
0x99: {  	_ =	swait.ge [sflag:s15], $0x4000  }
0x9a: {  	[sflag:s15] =	ssyncset.done $0x0  }
0x9b: {  	[sflag:s15] =	ssyncadd.s32 $0xFFFFC000  }
0x9c: {  	_ =	swait.ge [sflag:s14], $0x80  }
0x9d: {  	[sflag:s14] =	ssyncset.done $0x0  }
0x9e: {  	[sflag:s14] =	ssyncadd.s32 $0xFFFFFF80  }
0x9f: {  	_ =	swait.ge [sflag:s14], $0x80  }
0xa0: {  	[sflag:s14] =	ssyncset.done $0x0  }
0xa1: {  	[sflag:s14] =	ssyncadd.s32 $0xFFFFFF80  }
0xa2: {  	[hbm4b:s7+s2] =	stream.linear.scatter [tilespmem:s10], [sflag:$0xB], $0x80, $0x38;
	[tilespmem:$0x10300] =	vst v63  }
0xa3: {  	p1 =	sne.s32 s1, $0x1;
	_ =	swait.ge [sflag:s11], $0x80  }
.Ltmp2:
0xa4: {  	[sflag:s11] =	ssyncset.done $0x0;
	(pc) =	sbr.rel @p1 .LBB2_4-.Ltmp2, $4  }
0xa5: {  	[sflag:s11] =	ssyncadd.s32 $0xFFFFFF80  }
0xa6: {  	[hbm4b:s5+s2] =	stream.linear.scatter [tilespmem:s9], [sflag:$0xB], $0x80, $0x38;
	[tilespmem:$0x10300] =	vst v63  }
0xa7: {  	_ =	swait.ge [sflag:s11], $0x80  }
0xa8: {  	s1 =	sadd.s32 $0xFFFFFFFF, s1;
	s0 =	rddreg [dreg:$0x7];
	[sflag:s11] =	ssyncset.done $0x0  }
0xa9: {  	s10 =	rddreg [dreg:$0x3];
	s3 =	stileid.u32  }
.LBB2_6:
0xaa: {  	[sflag:s11] =	ssyncadd.s32 @p0 $0xFFFFFF80  }
0xab: {  	[tilespmem:s2], [sflag:$0x1] =	stream.linear.gather [hbm4b:s0+s2], $0x80, $0x38;
	[tilespmem:$0x10300] =	vst v63  }
0xac: {  	s1 =	rddreg [dreg:$0x8]  }
0xad: {  	[tilespmem:s24], [sflag:$0x1] =	stream.linear.gather [hbm4b:s1+s2], $0x80, $0x38;
	[tilespmem:$0x10300] =	vst v63  }
0xae: {  	s0 =	rddreg [dreg:$0x9]  }
0xaf: {  	[tilespmem:s25], [sflag:$0x1] =	stream.linear.gather [hbm4b:s0+s2], $0x80, $0x38;
	[tilespmem:$0x10300] =	vst v63  }
0xb0: {  	s9 =	rddreg [dreg:$0xa]  }
0xb1: {  	[tilespmem:s28], [sflag:$0x1] =	stream.linear.gather [hbm4b:s9+s2], $0x80, $0x38;
	[tilespmem:$0x10300] =	vst v63  }
0xb2: {  	_ =	swait.ge [sflag:s31], $0x80  }
0xb3: {  	[sflag:s31] =	ssyncset.done $0x0  }
0xb4: {  	[sflag:s31] =	ssyncadd.s32 $0xFFFFFF80  }
0xb5: {  	_ =	swait.ge [sflag:s31], $0x80  }
0xb6: {  	[sflag:s31] =	ssyncset.done $0x0  }
0xb7: {  	[sflag:s31] =	ssyncadd.s32 $0xFFFFFF80  }
0xb8: {  	_ =	swait.ge [sflag:s31], $0x80  }
0xb9: {  	[sflag:s31] =	ssyncset.done $0x0  }
0xba: {  	[sflag:s31] =	ssyncadd.s32 $0xFFFFFF80  }
0xbb: {  	_ =	swait.ge [sflag:s31], $0x80  }
0xbc: {  	[sflag:s31] =	ssyncset.done $0x0  }
0xbd: {  	s9 =	simm.s32 $0x10200;
	[sflag:s31] =	ssyncadd.s32 $0xFFFFFF80  }
0xbe: {  	[tilespmem:s9], [sflag:$0xA] =	stream.indirect.gather [hbm4b:s8+s25], $0x1, s24, s25, $0xb8;
	[tilespmem:$0x10300] =	vst v63  }
0xbf: {  	s1 =	simm.s32 $0x10280  }
0xc0: {  	[tilespmem:s1], [sflag:$0xA] =	stream.indirect.gather [hbm4b:s8+s25], $0x1, s28, s25, $0xb8;
	[tilespmem:$0x10300] =	vst v63  }
0xc1: {  	_ = 	snop  }
0xc2: {  	[tilespmem:s26], [sflag:$0x2] =	stream.indirect.gather [hbm4b:s6+s25], $0x80, s2, s25, $0xb8;
	[tilespmem:$0x10300] =	vst v63  }
0xc3: {  	_ = 	snop  }
0xc4: {  	[tilespmem:s22], [sflag:$0x3] =	stream.indirect.gather [hbm4b:s6+s25], $0x80, s25, s25, $0xb8;
	[tilespmem:$0x10300] =	vst v63  }
0xc5: {  	_ = 	snop  }
0xc6: {  	[tilespmem:s18], [sflag:$0x4] =	stream.indirect.gather [hbm4b:s10+s25], $0x80, s24, s25, $0xb8;
	[tilespmem:$0x10300] =	vst v63  }
0xc7: {  	_ = 	snop  }
0xc8: {  	[tilespmem:s4], [sflag:$0x5] =	stream.indirect.gather [hbm4b:s10+s25], $0x80, s28, s25, $0xb8;
	[tilespmem:$0x10300] =	vst v63  }
0xc9: {  	_ =	swait.ge [sflag:s30], $0x4000  }
0xca: {  	[sflag:s30] =	ssyncset.done $0x0  }
0xcb: {  	s31 =	rddreg [dreg:$0xb];
	[sflag:s30] =	ssyncadd.s32 $0xFFFFC000  }
0xcc: {  	[hbm4b:s31+s2] =	stream.linear.scatter [tilespmem:s26], [sflag:$0x6], $0x4000, $0x38;
	[tilespmem:$0x10300] =	vst v63  }
0xcd: {  	_ =	swait.ge [sflag:s29], $0x4000  }
0xce: {  	[sflag:s29] =	ssyncset.done $0x0  }
0xcf: {  	[sflag:s29] =	ssyncadd.s32 $0xFFFFC000  }
0xd0: {  	[hbm4b:s16+s2] =	stream.linear.scatter [tilespmem:s22], [sflag:$0x7], $0x4000, $0x38;
	[tilespmem:$0x10300] =	vst v63  }
0xd1: {  	_ =	swait.ge [sflag:s23], $0x4000  }
0xd2: {  	[sflag:s23] =	ssyncset.done $0x0  }
0xd3: {  	[sflag:s23] =	ssyncadd.s32 $0xFFFFC000  }
0xd4: {  	[hbm4b:s13+s2] =	stream.linear.scatter [tilespmem:s18], [sflag:$0x8], $0x4000, $0x38;
	[tilespmem:$0x10300] =	vst v63  }
0xd5: {  	_ =	swait.ge [sflag:s20], $0x4000  }
0xd6: {  	[sflag:s20] =	ssyncset.done $0x0  }
0xd7: {  	[sflag:s20] =	ssyncadd.s32 $0xFFFFC000  }
0xd8: {  	[hbm4b:s12+s2] =	stream.linear.scatter [tilespmem:s4], [sflag:$0x9], $0x4000, $0x38;
	[tilespmem:$0x10300] =	vst v63  }
0xd9: {  	_ =	swait.ge [sflag:s21], $0x4000  }
0xda: {  	[sflag:s21] =	ssyncset.done $0x0  }
0xdb: {  	[sflag:s21] =	ssyncadd.s32 $0xFFFFC000  }
0xdc: {  	_ =	swait.ge [sflag:s19], $0x4000  }
0xdd: {  	[sflag:s19] =	ssyncset.done $0x0  }
0xde: {  	[sflag:s19] =	ssyncadd.s32 $0xFFFFC000  }
0xdf: {  	_ =	swait.ge [sflag:s17], $0x4000  }
0xe0: {  	[sflag:s17] =	ssyncset.done $0x0  }
0xe1: {  	[sflag:s17] =	ssyncadd.s32 $0xFFFFC000  }
0xe2: {  	_ =	swait.ge [sflag:s15], $0x4000  }
0xe3: {  	[sflag:s15] =	ssyncset.done $0x0  }
0xe4: {  	[sflag:s15] =	ssyncadd.s32 $0xFFFFC000  }
0xe5: {  	_ =	swait.ge [sflag:s14], $0x80  }
0xe6: {  	[sflag:s14] =	ssyncset.done $0x0  }
0xe7: {  	[sflag:s14] =	ssyncadd.s32 $0xFFFFFF80  }
0xe8: {  	_ =	swait.ge [sflag:s14], $0x80  }
0xe9: {  	[sflag:s14] =	ssyncset.done $0x0  }
0xea: {  	[sflag:s14] =	ssyncadd.s32 $0xFFFFFF80  }
0xeb: {  	[hbm4b:s7+s2] =	stream.linear.scatter [tilespmem:s9], [sflag:$0xB], $0x80, $0x38;
	[tilespmem:$0x10300] =	vst v63  }
0xec: {  	_ =	swait.ge [sflag:s11], $0x80  }
0xed: {  	[sflag:s11] =	ssyncset.done $0x0  }
0xee: {  	[sflag:s11] =	ssyncadd.s32 $0xFFFFFF80  }
0xef: {  	[hbm4b:s5+s2] =	stream.linear.scatter [tilespmem:s1], [sflag:$0xB], $0x80, $0x38;
	[tilespmem:$0x10300] =	vst v63  }
0xf0: {  	_ =	swait.ge [sflag:s11], $0x80  }
0xf1: {  	[sflag:s11] =	ssyncset.done $0x0  }
0xf2: {  	[sflag:s11] =	ssyncadd.s32 $0xFFFFFF80  }
0xf3: {  	_ =	sfence.sel $0x180000  }
0xf4: {  	[bflag:$0x0] =	sbarrier.arrive $0xFFFF  }
0xf5: {  	_ =	strace $0x9000004A  }
0xf6: {  	[bflag:$0x2] =	sbarrier.arrive $0xFFFF  }
0xf7: {  	p0 =	sne.s32 s3, $0x0;
	s0 =	rddreg [dreg:$0x6]  }
0xf8: {  	s0 =	sadd.s32 @!p0 $0x100000, s0  }
0xf9: {  	[sflag:s0] =	ssyncadd.tile.s32 @!p0 $0x1;
	_ =	shalt  }
.LBB2_1:
.Ltmp3:
0xfa: {  	(pc) =	sbr.rel .LBB2_6-.Ltmp3, $2  }
0xfb: {  	_ =	sdelay $0x2  }
0xfc: {  	s10 =	rddreg [dreg:$0x3]  }
.LBB2_3:
.Ltmp4:
0xfd: {  	(pc) =	sbr.rel .LBB2_6-.Ltmp4, $2  }
0xfe: {  	_ =	sdelay $0x2  }
0xff: {  	s10 =	rddreg [dreg:$0x3];
	s3 =	stileid.u32  }
.Lfunc_end2:
_tile_overlayer_lowered:
.L_overlay_start_2:
0x100: {  	(tag) =	ssettag $0x2  }
0x101: {  	s0 =	rddreg [dreg:$0x0];
	s2 =	stileid.u32  }
0x102: {  	s1 =	rddreg [dreg:$0x1];
	p0 =	sne.s32 s2, $0x0  }
0x103: {  	s3 =	rddreg [dreg:$0x2];
	[bflag:$0x3] =	sbarrier.arrive $0xFFFF;
	s2 =	simm.s32 @!p0 $0x1C0B  }
0x104: {  	[timem:s3], [sflag:s2] =	dma.local @!p0 [hbm:s0], s1  }
0x105: {  	s0 =	simm.s32 @!p0 $0xB  }
0x106: {  	_ =	swait.ge @!p0 [sflag:s0], s1  }
0x107: {  	s1 =	ssub.s32 @!p0 $0x0, s1;
	[sflag:s0] =	ssyncset.done @!p0 $0x0  }
0x108: {  	[sflag:s0] =	ssyncadd.s32 @!p0 s1  }
0x109: {  	[bflag:$0x3] =	sbarrier.arrive $0xFFFF  }
0x10a: {  	_ =	shalt  }

</sc_bundles>
